<compile_context>
chip_gen: v7x
topology: tpu7x:2x2x1
jax: 0.10.2.dev20260603
libtpu: 0.0.44.dev20260713+nightly
codegen_flags: <defaults>
</compile_context>

<pallas_src>
import jax
import jax.numpy as jnp
from jax import lax
from jax.experimental import pallas as pl
from jax.experimental.pallas import tpu as pltpu
from jax.experimental.pallas import tpu_sc as plsc

_N = 262144
_L = 128
_R = _N // _L
_NC = 2
_NS = 16
_NW = _NC * _NS
_EPT = _N // _NW
_CH = 128
_NCHUNK = _EPT // _CH
_HI_BITS = 0x43000000
_LN2 = 0.6931471805599453


def _softlog(x):
    bits = lax.bitcast_convert_type(x, jnp.int32)
    e = ((bits >> 23) - 127).astype(jnp.float32)
    m = lax.bitcast_convert_type(
        (bits & 0x7FFFFF) | 0x3F800000, jnp.float32)
    r = (m - 1.0) / (m + 1.0)
    r2 = r * r
    lnm = 2.0 * r * (1.0 + r2 * (1.0 / 3.0 + r2 * (0.2 + r2 * (1.0 / 7.0))))
    return e * _LN2 + lnm


def _sc_body(pl_hbm, off_hbm, plm_hbm, gl_hbm, gb_hbm, glm_hbm,
             negv_out, part_out,
             lbl_b, p_b, off_b, gb_b, plm_b, glm_b, negc_b, part_b, sem):
    wid = lax.axis_index("s") * _NC + lax.axis_index("c")
    iota = lax.iota(jnp.int32, 16)
    zero16 = jnp.zeros((16,), jnp.int32)
    zf = jnp.zeros((16,), jnp.float32)

    np_a, nn_a, sp_a, sna_a, nb_a, nl_a = zf, zf, zf, zf, zf, zf
    bsq_a, lsq_a = zf, zf

    def chunk_body(c, carry):
        np_a, nn_a, sp_a, sna_a, nb_a, nl_a, bsq_a, lsq_a = carry
        s0 = wid * _EPT + c * _CH
        cps = [
            pltpu.make_async_copy(gl_hbm.at[pl.ds(s0, _CH)], lbl_b, sem),
            pltpu.make_async_copy(pl_hbm.at[pl.ds(s0, _CH), :], p_b, sem),
            pltpu.make_async_copy(off_hbm.at[pl.ds(s0, _CH), :], off_b, sem),
            pltpu.make_async_copy(gb_hbm.at[pl.ds(s0, _CH), :], gb_b, sem),
            pltpu.make_async_copy(plm_hbm.at[pl.ds(s0, _CH), :], plm_b, sem),
            pltpu.make_async_copy(glm_hbm.at[pl.ds(s0, _CH), :], glm_b, sem),
        ]
        for cp in cps:
            cp.start()
        for cp in cps:
            cp.wait()

        def bce_step(g, carry):
            np_a, nn_a, sp_a, sna_a, nb_a, nl_a = carry
            li = g * 16 + iota
            lbl = lbl_b[pl.ds(g * 16, 16)]
            p = plsc.load_gather(p_b, [li, zero16])
            lp = _softlog(p)
            l1p = _softlog(1.0 - p)
            loss_pos = -jnp.maximum(lp, -100.0)
            loss_neg = -jnp.maximum(l1p, -100.0)
            pos = lbl == 1
            neg = lbl == 0
            np_a = np_a + jnp.where(pos, 1.0, 0.0)
            nn_a = nn_a + jnp.where(neg, 1.0, 0.0)
            sp_a = sp_a + jnp.where(pos, loss_pos, 0.0)
            sna_a = sna_a + jnp.where(neg, loss_neg, 0.0)
            nb_a = nb_a + jnp.where(pos | (lbl == 2), 1.0, 0.0)
            nl_a = nl_a + jnp.where(lbl == -1, 1.0, 0.0)
            negc_b[pl.ds(g * 16, 16)] = jnp.where(neg, loss_neg, -1.0)
            return np_a, nn_a, sp_a, sna_a, nb_a, nl_a

        np_a, nn_a, sp_a, sna_a, nb_a, nl_a = lax.fori_loop(
            0, _CH // 16, bce_step,
            (np_a, nn_a, sp_a, sna_a, nb_a, nl_a), unroll=2)

        pltpu.sync_copy(negc_b, negv_out.at[pl.ds(s0, _CH)])

        def box_step(g, acc):
            q = g * 16 + iota
            ei = q >> 2
            co = q & 3
            a = plsc.load_gather(off_b, [ei, co])
            b = plsc.load_gather(gb_b, [ei, co])
            lbl = plsc.load_gather(lbl_b, [ei])
            d = a - b
            m = (lbl == 1) | (lbl == 2)
            return acc + jnp.where(m, d * d, 0.0)

        bsq_a = lax.fori_loop(0, _CH * 4 // 16, box_step, bsq_a, unroll=4)

        def land_step(g, acc):
            q = g * 16 + iota
            ei = q // 10
            co = q % 10
            a = plsc.load_gather(plm_b, [ei, co])
            b = plsc.load_gather(glm_b, [ei, co])
            lbl = plsc.load_gather(lbl_b, [ei])
            d = a - b
            return acc + jnp.where(lbl == -1, d * d, 0.0)

        lsq_a = lax.fori_loop(0, _CH * 10 // 16, land_step, lsq_a, unroll=4)
        return np_a, nn_a, sp_a, sna_a, nb_a, nl_a, bsq_a, lsq_a

    np_a, nn_a, sp_a, sna_a, nb_a, nl_a, bsq_a, lsq_a = lax.fori_loop(
        0, _NCHUNK, chunk_body,
        (np_a, nn_a, sp_a, sna_a, nb_a, nl_a, bsq_a, lsq_a))

    for j, vec in enumerate(
            (np_a, nn_a, sp_a, sna_a, nb_a, bsq_a, nl_a, lsq_a)):
        part_b[pl.ds(j * 16, 16)] = vec
    pltpu.sync_copy(part_b, part_out.at[pl.ds(wid * 128, 128)])


def _sc_stage(pred_label, pred_offset, pred_landmarks, gt_label, gt_boxes,
              gt_landmarks):
    return pl.kernel(
        _sc_body,
        out_type=(
            jax.ShapeDtypeStruct((_N,), jnp.float32),
            jax.ShapeDtypeStruct((_NW * 128,), jnp.float32),
        ),
        mesh=plsc.VectorSubcoreMesh(core_axis_name="c", subcore_axis_name="s"),
        compiler_params=pltpu.CompilerParams(needs_layout_passes=False, use_tc_tiling_on_sc=True),
        scratch_types=[
            pltpu.VMEM((_CH,), jnp.int32),
            pltpu.VMEM((_CH, 1), jnp.float32),
            pltpu.VMEM((_CH, 4), jnp.float32),
            pltpu.VMEM((_CH, 4), jnp.float32),
            pltpu.VMEM((_CH, 10), jnp.float32),
            pltpu.VMEM((_CH, 10), jnp.float32),
            pltpu.VMEM((_CH,), jnp.float32),
            pltpu.VMEM((128,), jnp.float32),
            pltpu.SemaphoreType.DMA,
        ],
    )(pred_label, pred_offset, pred_landmarks, gt_label, gt_boxes,
      gt_landmarks)


def _tc_body(negv_ref, part_ref, out_ref):
    part = part_ref[...]
    n_pos = jnp.sum(part[:, 0:16])
    n_neg = jnp.sum(part[:, 16:32])
    sum_pos = jnp.sum(part[:, 32:48])
    sum_neg_all = jnp.sum(part[:, 48:64])
    n_box = jnp.sum(part[:, 64:80])
    box_sq = jnp.sum(part[:, 80:96])
    n_land = jnp.sum(part[:, 96:112])
    land_sq = jnp.sum(part[:, 112:128])

    negv = negv_ref[...]
    bits = lax.bitcast_convert_type(negv, jnp.int32)
    k_i = n_pos.astype(jnp.int32)

    def step(_, carry):
        lo, hi = carry
        mid = (lo + hi) // 2
        cnt = jnp.sum((bits >= mid).astype(jnp.int32))
        ok = cnt >= k_i
        return jnp.where(ok, mid, lo), jnp.where(ok, hi, mid)

    lo, _hi = lax.fori_loop(0, 31, step, (jnp.int32(0), jnp.int32(_HI_BITS)))
    t_val = lax.bitcast_convert_type(lo, jnp.float32)
    gtm = bits > lo
    cnt_gt = jnp.sum(gtm.astype(jnp.float32))
    sum_gt = jnp.sum(jnp.where(gtm, negv, 0.0))
    sum_neg_top = sum_gt + (n_pos - cnt_gt) * t_val

    sum_neg = jnp.where(n_neg > n_pos, sum_neg_top, sum_neg_all)
    k_min = jnp.minimum(n_pos, n_neg)
    cls = (sum_pos + sum_neg) / (n_pos + k_min)
    box = box_sq / (n_box * 4.0) * 0.5
    land = land_sq / (n_land * 10.0) * 0.5
    out_ref[0, 0] = cls + box + land


@jax.jit
def _run(pred_label, pred_offset, pred_landmarks, gt_label, gt_boxes,
         gt_landmarks):
    negv, parts = _sc_stage(pred_label, pred_offset, pred_landmarks,
                            gt_label, gt_boxes, gt_landmarks)
    negv2 = negv.reshape(_R, _L)
    parts2 = parts.reshape(_NW, 128)
    return pl.pallas_call(
        _tc_body,
        in_specs=[
            pl.BlockSpec((_R, _L), lambda: (0, 0)),
            pl.BlockSpec((_NW, 128), lambda: (0, 0)),
        ],
        out_specs=pl.BlockSpec(memory_space=pltpu.SMEM),
        out_shape=jax.ShapeDtypeStruct((1, 1), jnp.float32),
    )(negv2, parts2)


def kernel(pred_label, pred_offset, pred_landmarks, gt_label, gt_boxes,
           gt_landmarks):
    out = _run(pred_label, pred_offset, pred_landmarks, gt_label, gt_boxes,
               gt_landmarks)
    return out[0, 0]

# --- scband reference (transcript-rebuilt; emitter-appended) ---
"""Pipeline reference for scband-net-9715216023688 (READ-ONLY COPY).

The authoritative reference and input builder live on the scoring server;
editing this copy changes nothing except your own understanding.
"""

import jax, jax.numpy as jnp
import numpy as np

N = 262144
CLS_FACTOR = 1.0
BOX_FACTOR = 0.5
LAND_FACTOR = 0.5


def setup_inputs(seed: int = 0) -> dict:
    key = jax.random.key(seed)
    k1, k2, k3, k4, k5, k6 = jax.random.split(key, 6)
    pred_label = jax.random.uniform(k1, (N, 1), dtype=jnp.float32, minval=1e-4, maxval=1.0 - 1e-4)
    pred_offset = jax.random.normal(k2, (N, 4), dtype=jnp.float32)
    pred_landmarks = jax.random.normal(k3, (N, 10), dtype=jnp.float32)
    # MTCNN-style labels: -1 landmark sample, 0 negative, 1 positive, 2 part
    gt_label = jax.random.randint(k4, (N,), 0, 4, dtype=jnp.int32) - 1
    gt_boxes = jax.random.normal(k5, (N, 4), dtype=jnp.float32)
    gt_landmarks = jax.random.normal(k6, (N, 10), dtype=jnp.float32)
    return {
        "pred_label": pred_label,
        "pred_offset": pred_offset,
        "pred_landmarks": pred_landmarks,
        "gt_label": gt_label,
        "gt_boxes": gt_boxes,
        "gt_landmarks": gt_landmarks,
    }


def _bce_none(p, y):
    # PyTorch BCELoss(reduction='none') clamps log terms at -100
    logp = jnp.clip(jnp.log(p), -100.0, None)
    log1mp = jnp.clip(jnp.log(1.0 - p), -100.0, None)
    return -(y * logp + (1.0 - y) * log1mp)


def reference(pred_label, pred_offset, pred_landmarks, gt_label, gt_boxes, gt_landmarks):
    pred_label = pred_label.reshape(-1)
    pred_offset = pred_offset.reshape(-1, 4)
    pred_landmarks = pred_landmarks.reshape(-1, 10)
    gl = gt_label
    n = gl.shape[0]

    # ---- cls loss (online hard negative mining: keep top-|pos| negatives) ----
    pos_mask = gl == 1
    neg_mask = gl == 0
    loss_elem = _bce_none(pred_label, gl.astype(jnp.float32))
    n_pos = jnp.sum(pos_mask)
    n_neg = jnp.sum(neg_mask)
    sum_pos = jnp.sum(jnp.where(pos_mask, loss_elem, 0.0))
    sum_neg_all = jnp.sum(jnp.where(neg_mask, loss_elem, 0.0))
    neg_sorted = jax.lax.top_k(jnp.where(neg_mask, loss_elem, -jnp.inf), n)[0]
    idx = jnp.arange(n)
    sum_neg_top = jnp.sum(jnp.where(idx < n_pos, neg_sorted, 0.0))
    sum_neg = jnp.where(n_neg > n_pos, sum_neg_top, sum_neg_all)
    k = jnp.minimum(n_pos, n_neg)
    cls_loss = (sum_pos + sum_neg) / (n_pos + k).astype(jnp.float32) * CLS_FACTOR

    # ---- box regression loss (labels 1 or 2) ----
    box_mask = (gl == 1) | (gl == 2)
    box_sq = (pred_offset - gt_boxes) ** 2
    n_box = jnp.sum(box_mask).astype(jnp.float32)
    box_loss = jnp.sum(jnp.where(box_mask[:, None], box_sq, 0.0)) / (n_box * 4.0) * BOX_FACTOR

    # ---- landmark loss (label -1) ----
    land_mask = gl == -1
    land_sq = (pred_landmarks - gt_landmarks) ** 2
    n_land = jnp.sum(land_mask).astype(jnp.float32)
    land_loss = jnp.sum(jnp.where(land_mask[:, None], land_sq, 0.0)) / (n_land * 10.0) * LAND_FACTOR

    return cls_loss + box_loss + land_loss

if __name__ == "__main__":
    import jax
    _d = setup_inputs()
    print(jax.jit(kernel)(*tuple(_d.values())))

</pallas_src>

<mosaic_0001>
#map = affine_map<(d0, d1) -> (0, 0)>
#map1 = affine_map<(d0, d1) -> (0)>
module attributes {stable_mosaic.version = 14 : i64} {
  func.func @_sc_body(%arg0: i32, %arg1: i32, %arg2: memref<262144x1xf32, #tpu.memory_space<hbm>>, %arg3: memref<262144x4xf32, #tpu.memory_space<hbm>>, %arg4: memref<262144x10xf32, #tpu.memory_space<hbm>>, %arg5: memref<262144xi32, #tpu.memory_space<hbm>>, %arg6: memref<262144x4xf32, #tpu.memory_space<hbm>>, %arg7: memref<262144x10xf32, #tpu.memory_space<hbm>>, %arg8: memref<262144xf32, #tpu.memory_space<hbm>>, %arg9: memref<4096xf32, #tpu.memory_space<hbm>>, %arg10: memref<128xi32, #tpu.memory_space<vmem>>, %arg11: memref<128x1xf32, #tpu.memory_space<vmem>>, %arg12: memref<128x4xf32, #tpu.memory_space<vmem>>, %arg13: memref<128x4xf32, #tpu.memory_space<vmem>>, %arg14: memref<128x10xf32, #tpu.memory_space<vmem>>, %arg15: memref<128x10xf32, #tpu.memory_space<vmem>>, %arg16: memref<128xf32, #tpu.memory_space<vmem>>, %arg17: memref<128xf32, #tpu.memory_space<vmem>>, %arg18: memref<!tpu.dma_semaphore, #tpu.memory_space<semaphore_mem>>) attributes {dimension_semantics = [#tpu.dimension_semantics<core_parallel>, #tpu.dimension_semantics<subcore_parallel>], iteration_bounds = array<i64: 2, 16>, scalar_prefetch = 0 : i64, scratch_operands = 9 : i64, tpu.core_type = #tpu.core_type<sc_vector_subcore>, window_params = [{transform_indices = #map}, {transform_indices = #map}, {transform_indices = #map}, {transform_indices = #map1}, {transform_indices = #map}, {transform_indices = #map}, {transform_indices = #map1}, {transform_indices = #map1}]} {
    %mul3A = arith.constant 2 : i32
    %mul3A_0 = arith.muli %arg1, %mul3A : i32
    %add3A = arith.addi %mul3A_0, %arg0 : i32
    %iota3A = tpu.iota {dimensions = array<i32: 0>} : vector<16xi32>
    %broadcast_in_dim3A = arith.constant 0 : i32
    %broadcast_in_dim3A_1 = vector.broadcast %broadcast_in_dim3A : i32 to vector<16xi32>
    %broadcast_in_dim3A_2 = arith.constant 0.000000e+00 : f32
    %broadcast_in_dim3A_3 = vector.broadcast %broadcast_in_dim3A_2 : f32 to vector<16xf32>
    %scan3A = arith.constant 0 : i32
    %scan3A_4 = arith.constant 64 : i32
    %scan3A_5 = arith.addi %scan3A, %scan3A_4 : i32
    %scan3A_6 = arith.constant 1 : i32
    %scan3A_7:8 = scf.for %scan3A_26 = %scan3A to %scan3A_5 step %scan3A_6 iter_args(%scan3A_27 = %broadcast_in_dim3A_3, %scan3A_28 = %broadcast_in_dim3A_3, %scan3A_29 = %broadcast_in_dim3A_3, %scan3A_30 = %broadcast_in_dim3A_3, %scan3A_31 = %broadcast_in_dim3A_3, %scan3A_32 = %broadcast_in_dim3A_3, %scan3A_33 = %broadcast_in_dim3A_3, %scan3A_34 = %broadcast_in_dim3A_3) -> (vector<16xf32>, vector<16xf32>, vector<16xf32>, vector<16xf32>, vector<16xf32>, vector<16xf32>, vector<16xf32>, vector<16xf32>)  : i32 {
      %mul3A_35 = arith.constant 8192 : i32
      %mul3A_36 = arith.muli %add3A, %mul3A_35 : i32
      %mul3A_37 = arith.constant 128 : i32
      %mul3A_38 = arith.muli %scan3A_26, %mul3A_37 : i32
      %add3A_39 = arith.addi %mul3A_36, %mul3A_38 : i32
      %dma_start3A = tpu.memref_slice %arg5[%add3A_39] : memref<262144xi32, #tpu.memory_space<hbm>> -> memref<128xi32, #tpu.memory_space<hbm>>
      %dma_start3A_40 = tpu.memref_slice %arg5[%add3A_39] : memref<262144xi32, #tpu.memory_space<hbm>> -> memref<128xi32, #tpu.memory_space<hbm>>
      tpu.enqueue_dma source(%dma_start3A_40 : memref<128xi32, #tpu.memory_space<hbm>>) target(%arg10 : memref<128xi32, #tpu.memory_space<vmem>>) target_semaphore(%arg18 : memref<!tpu.dma_semaphore, #tpu.memory_space<semaphore_mem>>)
      %dma_start3A_41 = arith.constant 0 : i32
      %dma_start3A_42 = tpu.memref_slice %arg2[%add3A_39, %dma_start3A_41] : memref<262144x1xf32, #tpu.memory_space<hbm>> -> memref<128x1xf32, #tpu.memory_space<hbm>>
      %dma_start3A_43 = arith.constant 0 : i32
      %dma_start3A_44 = tpu.memref_slice %arg2[%add3A_39, %dma_start3A_43] : memref<262144x1xf32, #tpu.memory_space<hbm>> -> memref<128x1xf32, #tpu.memory_space<hbm>>
      tpu.enqueue_dma source(%dma_start3A_44 : memref<128x1xf32, #tpu.memory_space<hbm>>) target(%arg11 : memref<128x1xf32, #tpu.memory_space<vmem>>) target_semaphore(%arg18 : memref<!tpu.dma_semaphore, #tpu.memory_space<semaphore_mem>>)
      %dma_start3A_45 = arith.constant 0 : i32
      %dma_start3A_46 = tpu.memref_slice %arg3[%add3A_39, %dma_start3A_45] : memref<262144x4xf32, #tpu.memory_space<hbm>> -> memref<128x4xf32, #tpu.memory_space<hbm>>
      %dma_start3A_47 = arith.constant 0 : i32
      %dma_start3A_48 = tpu.memref_slice %arg3[%add3A_39, %dma_start3A_47] : memref<262144x4xf32, #tpu.memory_space<hbm>> -> memref<128x4xf32, #tpu.memory_space<hbm>>
      tpu.enqueue_dma source(%dma_start3A_48 : memref<128x4xf32, #tpu.memory_space<hbm>>) target(%arg12 : memref<128x4xf32, #tpu.memory_space<vmem>>) target_semaphore(%arg18 : memref<!tpu.dma_semaphore, #tpu.memory_space<semaphore_mem>>)
      %dma_start3A_49 = arith.constant 0 : i32
      %dma_start3A_50 = tpu.memref_slice %arg6[%add3A_39, %dma_start3A_49] : memref<262144x4xf32, #tpu.memory_space<hbm>> -> memref<128x4xf32, #tpu.memory_space<hbm>>
      %dma_start3A_51 = arith.constant 0 : i32
      %dma_start3A_52 = tpu.memref_slice %arg6[%add3A_39, %dma_start3A_51] : memref<262144x4xf32, #tpu.memory_space<hbm>> -> memref<128x4xf32, #tpu.memory_space<hbm>>
      tpu.enqueue_dma source(%dma_start3A_52 : memref<128x4xf32, #tpu.memory_space<hbm>>) target(%arg13 : memref<128x4xf32, #tpu.memory_space<vmem>>) target_semaphore(%arg18 : memref<!tpu.dma_semaphore, #tpu.memory_space<semaphore_mem>>)
      %dma_start3A_53 = arith.constant 0 : i32
      %dma_start3A_54 = tpu.memref_slice %arg4[%add3A_39, %dma_start3A_53] : memref<262144x10xf32, #tpu.memory_space<hbm>> -> memref<128x10xf32, #tpu.memory_space<hbm>>
      %dma_start3A_55 = arith.constant 0 : i32
      %dma_start3A_56 = tpu.memref_slice %arg4[%add3A_39, %dma_start3A_55] : memref<262144x10xf32, #tpu.memory_space<hbm>> -> memref<128x10xf32, #tpu.memory_space<hbm>>
      tpu.enqueue_dma source(%dma_start3A_56 : memref<128x10xf32, #tpu.memory_space<hbm>>) target(%arg14 : memref<128x10xf32, #tpu.memory_space<vmem>>) target_semaphore(%arg18 : memref<!tpu.dma_semaphore, #tpu.memory_space<semaphore_mem>>)
      %dma_start3A_57 = arith.constant 0 : i32
      %dma_start3A_58 = tpu.memref_slice %arg7[%add3A_39, %dma_start3A_57] : memref<262144x10xf32, #tpu.memory_space<hbm>> -> memref<128x10xf32, #tpu.memory_space<hbm>>
      %dma_start3A_59 = arith.constant 0 : i32
      %dma_start3A_60 = tpu.memref_slice %arg7[%add3A_39, %dma_start3A_59] : memref<262144x10xf32, #tpu.memory_space<hbm>> -> memref<128x10xf32, #tpu.memory_space<hbm>>
      tpu.enqueue_dma source(%dma_start3A_60 : memref<128x10xf32, #tpu.memory_space<hbm>>) target(%arg15 : memref<128x10xf32, #tpu.memory_space<vmem>>) target_semaphore(%arg18 : memref<!tpu.dma_semaphore, #tpu.memory_space<semaphore_mem>>)
      %dma_wait3A = tpu.memref_slice %arg5[%add3A_39] : memref<262144xi32, #tpu.memory_space<hbm>> -> memref<128xi32, #tpu.memory_space<hbm>>
      %dma_wait3A_61 = tpu.memref_slice %arg5[%add3A_39] : memref<262144xi32, #tpu.memory_space<hbm>> -> memref<128xi32, #tpu.memory_space<hbm>>
      tpu.wait_dma2 semaphore(%arg18 : memref<!tpu.dma_semaphore, #tpu.memory_space<semaphore_mem>>) src(%dma_wait3A_61 : memref<128xi32, #tpu.memory_space<hbm>>) dst(%arg10 : memref<128xi32, #tpu.memory_space<vmem>>)
      %dma_wait3A_62 = arith.constant 0 : i32
      %dma_wait3A_63 = tpu.memref_slice %arg2[%add3A_39, %dma_wait3A_62] : memref<262144x1xf32, #tpu.memory_space<hbm>> -> memref<128x1xf32, #tpu.memory_space<hbm>>
      %dma_wait3A_64 = arith.constant 0 : i32
      %dma_wait3A_65 = tpu.memref_slice %arg2[%add3A_39, %dma_wait3A_64] : memref<262144x1xf32, #tpu.memory_space<hbm>> -> memref<128x1xf32, #tpu.memory_space<hbm>>
      tpu.wait_dma2 semaphore(%arg18 : memref<!tpu.dma_semaphore, #tpu.memory_space<semaphore_mem>>) src(%dma_wait3A_65 : memref<128x1xf32, #tpu.memory_space<hbm>>) dst(%arg11 : memref<128x1xf32, #tpu.memory_space<vmem>>)
      %dma_wait3A_66 = arith.constant 0 : i32
      %dma_wait3A_67 = tpu.memref_slice %arg3[%add3A_39, %dma_wait3A_66] : memref<262144x4xf32, #tpu.memory_space<hbm>> -> memref<128x4xf32, #tpu.memory_space<hbm>>
      %dma_wait3A_68 = arith.constant 0 : i32
      %dma_wait3A_69 = tpu.memref_slice %arg3[%add3A_39, %dma_wait3A_68] : memref<262144x4xf32, #tpu.memory_space<hbm>> -> memref<128x4xf32, #tpu.memory_space<hbm>>
      tpu.wait_dma2 semaphore(%arg18 : memref<!tpu.dma_semaphore, #tpu.memory_space<semaphore_mem>>) src(%dma_wait3A_69 : memref<128x4xf32, #tpu.memory_space<hbm>>) dst(%arg12 : memref<128x4xf32, #tpu.memory_space<vmem>>)
      %dma_wait3A_70 = arith.constant 0 : i32
      %dma_wait3A_71 = tpu.memref_slice %arg6[%add3A_39, %dma_wait3A_70] : memref<262144x4xf32, #tpu.memory_space<hbm>> -> memref<128x4xf32, #tpu.memory_space<hbm>>
      %dma_wait3A_72 = arith.constant 0 : i32
      %dma_wait3A_73 = tpu.memref_slice %arg6[%add3A_39, %dma_wait3A_72] : memref<262144x4xf32, #tpu.memory_space<hbm>> -> memref<128x4xf32, #tpu.memory_space<hbm>>
      tpu.wait_dma2 semaphore(%arg18 : memref<!tpu.dma_semaphore, #tpu.memory_space<semaphore_mem>>) src(%dma_wait3A_73 : memref<128x4xf32, #tpu.memory_space<hbm>>) dst(%arg13 : memref<128x4xf32, #tpu.memory_space<vmem>>)
      %dma_wait3A_74 = arith.constant 0 : i32
      %dma_wait3A_75 = tpu.memref_slice %arg4[%add3A_39, %dma_wait3A_74] : memref<262144x10xf32, #tpu.memory_space<hbm>> -> memref<128x10xf32, #tpu.memory_space<hbm>>
      %dma_wait3A_76 = arith.constant 0 : i32
      %dma_wait3A_77 = tpu.memref_slice %arg4[%add3A_39, %dma_wait3A_76] : memref<262144x10xf32, #tpu.memory_space<hbm>> -> memref<128x10xf32, #tpu.memory_space<hbm>>
      tpu.wait_dma2 semaphore(%arg18 : memref<!tpu.dma_semaphore, #tpu.memory_space<semaphore_mem>>) src(%dma_wait3A_77 : memref<128x10xf32, #tpu.memory_space<hbm>>) dst(%arg14 : memref<128x10xf32, #tpu.memory_space<vmem>>)
      %dma_wait3A_78 = arith.constant 0 : i32
      %dma_wait3A_79 = tpu.memref_slice %arg7[%add3A_39, %dma_wait3A_78] : memref<262144x10xf32, #tpu.memory_space<hbm>> -> memref<128x10xf32, #tpu.memory_space<hbm>>
      %dma_wait3A_80 = arith.constant 0 : i32
      %dma_wait3A_81 = tpu.memref_slice %arg7[%add3A_39, %dma_wait3A_80] : memref<262144x10xf32, #tpu.memory_space<hbm>> -> memref<128x10xf32, #tpu.memory_space<hbm>>
      tpu.wait_dma2 semaphore(%arg18 : memref<!tpu.dma_semaphore, #tpu.memory_space<semaphore_mem>>) src(%dma_wait3A_81 : memref<128x10xf32, #tpu.memory_space<hbm>>) dst(%arg15 : memref<128x10xf32, #tpu.memory_space<vmem>>)
      %scan3A_82 = arith.constant 0 : i32
      %scan3A_83 = arith.constant 8 : i32
      %scan3A_84 = arith.addi %scan3A_82, %scan3A_83 : i32
      %scan3A_85 = arith.constant 2 : i32
      %scan3A_86:6 = scf.for %scan3A_100 = %scan3A_82 to %scan3A_84 step %scan3A_85 iter_args(%scan3A_101 = %scan3A_27, %scan3A_102 = %scan3A_28, %scan3A_103 = %scan3A_29, %scan3A_104 = %scan3A_30, %scan3A_105 = %scan3A_31, %scan3A_106 = %scan3A_32) -> (vector<16xf32>, vector<16xf32>, vector<16xf32>, vector<16xf32>, vector<16xf32>, vector<16xf32>)  : i32 {
        %mul3A_107 = arith.constant 16 : i32
        %mul3A_108 = arith.muli %scan3A_100, %mul3A_107 : i32
        %add3A_109 = vector.broadcast %mul3A_108 : i32 to vector<16xi32>
        %add3A_110 = arith.addi %add3A_109, %iota3A : vector<16xi32>
        %mul3A_111 = arith.constant 16 : i32
        %mul3A_112 = arith.muli %scan3A_100, %mul3A_111 : i32
        %get3A = arith.index_cast %mul3A_112 : i32 to index
        %get3A_113 = tpu.vector_load %arg10[%get3A] {strides = array<i32>} : memref<128xi32, #tpu.memory_space<vmem>>, vector<16xi32>,
        %gather3A = tpu.vector_load_idx %arg11[%add3A_110, %broadcast_in_dim3A_1] : memref<128x1xf32, #tpu.memory_space<vmem>>[vector<16xi32>, vector<16xi32>], vector<16xf32>,
        %bitcast_convert_type3A = tpu.bitcast %gather3A : vector<16xf32> -> vector<16xi32>
        %shift_right_arithmetic3A = arith.constant 23 : i32
        %shift_right_arithmetic3A_114 = vector.broadcast %shift_right_arithmetic3A : i32 to vector<16xi32>
        %shift_right_arithmetic3A_115 = arith.shrsi %bitcast_convert_type3A, %shift_right_arithmetic3A_114 : vector<16xi32>
        %sub3A = arith.constant 127 : i32
        %sub3A_116 = vector.broadcast %sub3A : i32 to vector<16xi32>
        %sub3A_117 = arith.subi %shift_right_arithmetic3A_115, %sub3A_116 : vector<16xi32>
        %convert_element_type3A = arith.sitofp %sub3A_117 : vector<16xi32> to vector<16xf32>
        %and3A = arith.constant 8388607 : i32
        %and3A_118 = vector.broadcast %and3A : i32 to vector<16xi32>
        %and3A_119 = arith.andi %bitcast_convert_type3A, %and3A_118 : vector<16xi32>
        %or3A = arith.constant 1065353216 : i32
        %or3A_120 = vector.broadcast %or3A : i32 to vector<16xi32>
        %or3A_121 = arith.ori %and3A_119, %or3A_120 : vector<16xi32>
        %bitcast_convert_type3A_122 = tpu.bitcast %or3A_121 : vector<16xi32> -> vector<16xf32>
        %sub3A_123 = arith.constant 1.000000e+00 : f32
        %sub3A_124 = vector.broadcast %sub3A_123 : f32 to vector<16xf32>
        %sub3A_125 = arith.subf %bitcast_convert_type3A_122, %sub3A_124 : vector<16xf32>
        %add3A_126 = arith.constant 1.000000e+00 : f32
        %add3A_127 = vector.broadcast %add3A_126 : f32 to vector<16xf32>
        %add3A_128 = arith.addf %bitcast_convert_type3A_122, %add3A_127 : vector<16xf32>
        %div3A = arith.divf %sub3A_125, %add3A_128 : vector<16xf32>
        %mul3A_129 = arith.mulf %div3A, %div3A : vector<16xf32>
        %mul3A_130 = arith.constant 2.000000e+00 : f32
        %mul3A_131 = vector.broadcast %mul3A_130 : f32 to vector<16xf32>
        %mul3A_132 = arith.mulf %mul3A_131, %div3A : vector<16xf32>
        %mul3A_133 = arith.constant 0.142857149 : f32
        %mul3A_134 = vector.broadcast %mul3A_133 : f32 to vector<16xf32>
        %mul3A_135 = arith.mulf %mul3A_129, %mul3A_134 : vector<16xf32>
        %add3A_136 = arith.constant 2.000000e-01 : f32
        %add3A_137 = vector.broadcast %add3A_136 : f32 to vector<16xf32>
        %add3A_138 = arith.addf %add3A_137, %mul3A_135 : vector<16xf32>
        %mul3A_139 = arith.mulf %mul3A_129, %add3A_138 : vector<16xf32>
        %add3A_140 = arith.constant 0.333333343 : f32
        %add3A_141 = vector.broadcast %add3A_140 : f32 to vector<16xf32>
        %add3A_142 = arith.addf %add3A_141, %mul3A_139 : vector<16xf32>
        %mul3A_143 = arith.mulf %mul3A_129, %add3A_142 : vector<16xf32>
        %add3A_144 = arith.constant 1.000000e+00 : f32
        %add3A_145 = vector.broadcast %add3A_144 : f32 to vector<16xf32>
        %add3A_146 = arith.addf %add3A_145, %mul3A_143 : vector<16xf32>
        %mul3A_147 = arith.mulf %mul3A_132, %add3A_146 : vector<16xf32>
        %mul3A_148 = arith.constant 0.693147182 : f32
        %mul3A_149 = vector.broadcast %mul3A_148 : f32 to vector<16xf32>
        %mul3A_150 = arith.mulf %convert_element_type3A, %mul3A_149 : vector<16xf32>
        %add3A_151 = arith.addf %mul3A_150, %mul3A_147 : vector<16xf32>
        %sub3A_152 = arith.constant 1.000000e+00 : f32
        %sub3A_153 = vector.broadcast %sub3A_152 : f32 to vector<16xf32>
        %sub3A_154 = arith.subf %sub3A_153, %gather3A : vector<16xf32>
        %bitcast_convert_type3A_155 = tpu.bitcast %sub3A_154 : vector<16xf32> -> vector<16xi32>
        %shift_right_arithmetic3A_156 = arith.constant 23 : i32
        %shift_right_arithmetic3A_157 = vector.broadcast %shift_right_arithmetic3A_156 : i32 to vector<16xi32>
        %shift_right_arithmetic3A_158 = arith.shrsi %bitcast_convert_type3A_155, %shift_right_arithmetic3A_157 : vector<16xi32>
        %sub3A_159 = arith.constant 127 : i32
        %sub3A_160 = vector.broadcast %sub3A_159 : i32 to vector<16xi32>
        %sub3A_161 = arith.subi %shift_right_arithmetic3A_158, %sub3A_160 : vector<16xi32>
        %convert_element_type3A_162 = arith.sitofp %sub3A_161 : vector<16xi32> to vector<16xf32>
        %and3A_163 = arith.constant 8388607 : i32
        %and3A_164 = vector.broadcast %and3A_163 : i32 to vector<16xi32>
        %and3A_165 = arith.andi %bitcast_convert_type3A_155, %and3A_164 : vector<16xi32>
        %or3A_166 = arith.constant 1065353216 : i32
        %or3A_167 = vector.broadcast %or3A_166 : i32 to vector<16xi32>
        %or3A_168 = arith.ori %and3A_165, %or3A_167 : vector<16xi32>
        %bitcast_convert_type3A_169 = tpu.bitcast %or3A_168 : vector<16xi32> -> vector<16xf32>
        %sub3A_170 = arith.constant 1.000000e+00 : f32
        %sub3A_171 = vector.broadcast %sub3A_170 : f32 to vector<16xf32>
        %sub3A_172 = arith.subf %bitcast_convert_type3A_169, %sub3A_171 : vector<16xf32>
        %add3A_173 = arith.constant 1.000000e+00 : f32
        %add3A_174 = vector.broadcast %add3A_173 : f32 to vector<16xf32>
        %add3A_175 = arith.addf %bitcast_convert_type3A_169, %add3A_174 : vector<16xf32>
        %div3A_176 = arith.divf %sub3A_172, %add3A_175 : vector<16xf32>
        %mul3A_177 = arith.mulf %div3A_176, %div3A_176 : vector<16xf32>
        %mul3A_178 = arith.constant 2.000000e+00 : f32
        %mul3A_179 = vector.broadcast %mul3A_178 : f32 to vector<16xf32>
        %mul3A_180 = arith.mulf %mul3A_179, %div3A_176 : vector<16xf32>
        %mul3A_181 = arith.constant 0.142857149 : f32
        %mul3A_182 = vector.broadcast %mul3A_181 : f32 to vector<16xf32>
        %mul3A_183 = arith.mulf %mul3A_177, %mul3A_182 : vector<16xf32>
        %add3A_184 = arith.constant 2.000000e-01 : f32
        %add3A_185 = vector.broadcast %add3A_184 : f32 to vector<16xf32>
        %add3A_186 = arith.addf %add3A_185, %mul3A_183 : vector<16xf32>
        %mul3A_187 = arith.mulf %mul3A_177, %add3A_186 : vector<16xf32>
        %add3A_188 = arith.constant 0.333333343 : f32
        %add3A_189 = vector.broadcast %add3A_188 : f32 to vector<16xf32>
        %add3A_190 = arith.addf %add3A_189, %mul3A_187 : vector<16xf32>
        %mul3A_191 = arith.mulf %mul3A_177, %add3A_190 : vector<16xf32>
        %add3A_192 = arith.constant 1.000000e+00 : f32
        %add3A_193 = vector.broadcast %add3A_192 : f32 to vector<16xf32>
        %add3A_194 = arith.addf %add3A_193, %mul3A_191 : vector<16xf32>
        %mul3A_195 = arith.mulf %mul3A_180, %add3A_194 : vector<16xf32>
        %mul3A_196 = arith.constant 0.693147182 : f32
        %mul3A_197 = vector.broadcast %mul3A_196 : f32 to vector<16xf32>
        %mul3A_198 = arith.mulf %convert_element_type3A_162, %mul3A_197 : vector<16xf32>
        %add3A_199 = arith.addf %mul3A_198, %mul3A_195 : vector<16xf32>
        %max3A = arith.constant -1.000000e+02 : f32
        %max3A_200 = vector.broadcast %max3A : f32 to vector<16xf32>
        %max3A_201 = arith.maximumf %add3A_151, %max3A_200 : vector<16xf32>
        %neg3A = arith.constant 0.000000e+00 : f32
        %neg3A_202 = vector.broadcast %neg3A : f32 to vector<16xf32>
        %neg3A_203 = arith.subf %neg3A_202, %max3A_201 : vector<16xf32>
        %max3A_204 = arith.constant -1.000000e+02 : f32
        %max3A_205 = vector.broadcast %max3A_204 : f32 to vector<16xf32>
        %max3A_206 = arith.maximumf %add3A_199, %max3A_205 : vector<16xf32>
        %neg3A_207 = arith.constant 0.000000e+00 : f32
        %neg3A_208 = vector.broadcast %neg3A_207 : f32 to vector<16xf32>
        %neg3A_209 = arith.subf %neg3A_208, %max3A_206 : vector<16xf32>
        %eq3A = arith.constant 1 : i32
        %eq3A_210 = vector.broadcast %eq3A : i32 to vector<16xi32>
        %eq3A_211 = arith.cmpi eq, %get3A_113, %eq3A_210 : vector<16xi32>
        %eq3A_212 = arith.constant 0 : i32
        %eq3A_213 = vector.broadcast %eq3A_212 : i32 to vector<16xi32>
        %eq3A_214 = arith.cmpi eq, %get3A_113, %eq3A_213 : vector<16xi32>
        %jit3A = arith.constant 1.000000e+00 : f32
        %jit3A_215 = arith.constant 0.000000e+00 : f32
        %broadcast_in_dim3A_216 = vector.broadcast %jit3A : f32 to vector<16xf32>
        %broadcast_in_dim3A_217 = vector.broadcast %jit3A_215 : f32 to vector<16xf32>
        %select_n3A = arith.select %eq3A_211, %broadcast_in_dim3A_216, %broadcast_in_dim3A_217 : vector<16xi1>, vector<16xf32>
        %add3A_218 = arith.addf %scan3A_101, %select_n3A : vector<16xf32>
        %jit3A_219 = arith.constant 1.000000e+00 : f32
        %jit3A_220 = arith.constant 0.000000e+00 : f32
        %broadcast_in_dim3A_221 = vector.broadcast %jit3A_219 : f32 to vector<16xf32>
        %broadcast_in_dim3A_222 = vector.broadcast %jit3A_220 : f32 to vector<16xf32>
        %select_n3A_223 = arith.select %eq3A_214, %broadcast_in_dim3A_221, %broadcast_in_dim3A_222 : vector<16xi1>, vector<16xf32>
        %add3A_224 = arith.addf %scan3A_102, %select_n3A_223 : vector<16xf32>
        %jit3A_225 = arith.constant 0.000000e+00 : f32
        %broadcast_in_dim3A_226 = vector.broadcast %jit3A_225 : f32 to vector<16xf32>
        %select_n3A_227 = arith.select %eq3A_211, %neg3A_203, %broadcast_in_dim3A_226 : vector<16xi1>, vector<16xf32>
        %add3A_228 = arith.addf %scan3A_103, %select_n3A_227 : vector<16xf32>
        %jit3A_229 = arith.constant 0.000000e+00 : f32
        %broadcast_in_dim3A_230 = vector.broadcast %jit3A_229 : f32 to vector<16xf32>
        %select_n3A_231 = arith.select %eq3A_214, %neg3A_209, %broadcast_in_dim3A_230 : vector<16xi1>, vector<16xf32>
        %add3A_232 = arith.addf %scan3A_104, %select_n3A_231 : vector<16xf32>
        %eq3A_233 = arith.constant 2 : i32
        %eq3A_234 = vector.broadcast %eq3A_233 : i32 to vector<16xi32>
        %eq3A_235 = arith.cmpi eq, %get3A_113, %eq3A_234 : vector<16xi32>
        %or3A_236 = arith.ori %eq3A_211, %eq3A_235 : vector<16xi1>
        %jit3A_237 = arith.constant 1.000000e+00 : f32
        %jit3A_238 = arith.constant 0.000000e+00 : f32
        %broadcast_in_dim3A_239 = vector.broadcast %jit3A_237 : f32 to vector<16xf32>
        %broadcast_in_dim3A_240 = vector.broadcast %jit3A_238 : f32 to vector<16xf32>
        %select_n3A_241 = arith.select %or3A_236, %broadcast_in_dim3A_239, %broadcast_in_dim3A_240 : vector<16xi1>, vector<16xf32>
        %add3A_242 = arith.addf %scan3A_105, %select_n3A_241 : vector<16xf32>
        %eq3A_243 = arith.constant -1 : i32
        %eq3A_244 = vector.broadcast %eq3A_243 : i32 to vector<16xi32>
        %eq3A_245 = arith.cmpi eq, %get3A_113, %eq3A_244 : vector<16xi32>
        %jit3A_246 = arith.constant 1.000000e+00 : f32
        %jit3A_247 = arith.constant 0.000000e+00 : f32
        %broadcast_in_dim3A_248 = vector.broadcast %jit3A_246 : f32 to vector<16xf32>
        %broadcast_in_dim3A_249 = vector.broadcast %jit3A_247 : f32 to vector<16xf32>
        %select_n3A_250 = arith.select %eq3A_245, %broadcast_in_dim3A_248, %broadcast_in_dim3A_249 : vector<16xi1>, vector<16xf32>
        %add3A_251 = arith.addf %scan3A_106, %select_n3A_250 : vector<16xf32>
        %jit3A_252 = arith.constant -1.000000e+00 : f32
        %broadcast_in_dim3A_253 = vector.broadcast %jit3A_252 : f32 to vector<16xf32>
        %select_n3A_254 = arith.select %eq3A_214, %neg3A_209, %broadcast_in_dim3A_253 : vector<16xi1>, vector<16xf32>
        %mul3A_255 = arith.constant 16 : i32
        %mul3A_256 = arith.muli %scan3A_100, %mul3A_255 : i32
        %swap3A_257 = arith.index_cast %mul3A_256 : i32 to index
        %swap3A_258 = tpu.vector_load %arg16[%swap3A_257] {strides = array<i32>} : memref<128xf32, #tpu.memory_space<vmem>>, vector<16xf32>,
        tpu.vector_store %arg16[%swap3A_257], %select_n3A_254 {strides = array<i32>} : memref<128xf32, #tpu.memory_space<vmem>>, vector<16xf32>,
        %scan3A_259 = arith.constant 1 : i32
        %scan3A_260 = arith.addi %scan3A_100, %scan3A_259 : i32
        %mul3A_261 = arith.constant 16 : i32
        %mul3A_262 = arith.muli %scan3A_260, %mul3A_261 : i32
        %add3A_263 = vector.broadcast %mul3A_262 : i32 to vector<16xi32>
        %add3A_264 = arith.addi %add3A_263, %iota3A : vector<16xi32>
        %mul3A_265 = arith.constant 16 : i32
        %mul3A_266 = arith.muli %scan3A_260, %mul3A_265 : i32
        %get3A_267 = arith.index_cast %mul3A_266 : i32 to index
        %get3A_268 = tpu.vector_load %arg10[%get3A_267] {strides = array<i32>} : memref<128xi32, #tpu.memory_space<vmem>>, vector<16xi32>,
        %gather3A_269 = tpu.vector_load_idx %arg11[%add3A_264, %broadcast_in_dim3A_1] : memref<128x1xf32, #tpu.memory_space<vmem>>[vector<16xi32>, vector<16xi32>], vector<16xf32>,
        %bitcast_convert_type3A_270 = tpu.bitcast %gather3A_269 : vector<16xf32> -> vector<16xi32>
        %shift_right_arithmetic3A_271 = arith.constant 23 : i32
        %shift_right_arithmetic3A_272 = vector.broadcast %shift_right_arithmetic3A_271 : i32 to vector<16xi32>
        %shift_right_arithmetic3A_273 = arith.shrsi %bitcast_convert_type3A_270, %shift_right_arithmetic3A_272 : vector<16xi32>
        %sub3A_274 = arith.constant 127 : i32
        %sub3A_275 = vector.broadcast %sub3A_274 : i32 to vector<16xi32>
        %sub3A_276 = arith.subi %shift_right_arithmetic3A_273, %sub3A_275 : vector<16xi32>
        %convert_element_type3A_277 = arith.sitofp %sub3A_276 : vector<16xi32> to vector<16xf32>
        %and3A_278 = arith.constant 8388607 : i32
        %and3A_279 = vector.broadcast %and3A_278 : i32 to vector<16xi32>
        %and3A_280 = arith.andi %bitcast_convert_type3A_270, %and3A_279 : vector<16xi32>
        %or3A_281 = arith.constant 1065353216 : i32
        %or3A_282 = vector.broadcast %or3A_281 : i32 to vector<16xi32>
        %or3A_283 = arith.ori %and3A_280, %or3A_282 : vector<16xi32>
        %bitcast_convert_type3A_284 = tpu.bitcast %or3A_283 : vector<16xi32> -> vector<16xf32>
        %sub3A_285 = arith.constant 1.000000e+00 : f32
        %sub3A_286 = vector.broadcast %sub3A_285 : f32 to vector<16xf32>
        %sub3A_287 = arith.subf %bitcast_convert_type3A_284, %sub3A_286 : vector<16xf32>
        %add3A_288 = arith.constant 1.000000e+00 : f32
        %add3A_289 = vector.broadcast %add3A_288 : f32 to vector<16xf32>
        %add3A_290 = arith.addf %bitcast_convert_type3A_284, %add3A_289 : vector<16xf32>
        %div3A_291 = arith.divf %sub3A_287, %add3A_290 : vector<16xf32>
        %mul3A_292 = arith.mulf %div3A_291, %div3A_291 : vector<16xf32>
        %mul3A_293 = arith.constant 2.000000e+00 : f32
        %mul3A_294 = vector.broadcast %mul3A_293 : f32 to vector<16xf32>
        %mul3A_295 = arith.mulf %mul3A_294, %div3A_291 : vector<16xf32>
        %mul3A_296 = arith.constant 0.142857149 : f32
        %mul3A_297 = vector.broadcast %mul3A_296 : f32 to vector<16xf32>
        %mul3A_298 = arith.mulf %mul3A_292, %mul3A_297 : vector<16xf32>
        %add3A_299 = arith.constant 2.000000e-01 : f32
        %add3A_300 = vector.broadcast %add3A_299 : f32 to vector<16xf32>
        %add3A_301 = arith.addf %add3A_300, %mul3A_298 : vector<16xf32>
        %mul3A_302 = arith.mulf %mul3A_292, %add3A_301 : vector<16xf32>
        %add3A_303 = arith.constant 0.333333343 : f32
        %add3A_304 = vector.broadcast %add3A_303 : f32 to vector<16xf32>
        %add3A_305 = arith.addf %add3A_304, %mul3A_302 : vector<16xf32>
        %mul3A_306 = arith.mulf %mul3A_292, %add3A_305 : vector<16xf32>
        %add3A_307 = arith.constant 1.000000e+00 : f32
        %add3A_308 = vector.broadcast %add3A_307 : f32 to vector<16xf32>
        %add3A_309 = arith.addf %add3A_308, %mul3A_306 : vector<16xf32>
        %mul3A_310 = arith.mulf %mul3A_295, %add3A_309 : vector<16xf32>
        %mul3A_311 = arith.constant 0.693147182 : f32
        %mul3A_312 = vector.broadcast %mul3A_311 : f32 to vector<16xf32>
        %mul3A_313 = arith.mulf %convert_element_type3A_277, %mul3A_312 : vector<16xf32>
        %add3A_314 = arith.addf %mul3A_313, %mul3A_310 : vector<16xf32>
        %sub3A_315 = arith.constant 1.000000e+00 : f32
        %sub3A_316 = vector.broadcast %sub3A_315 : f32 to vector<16xf32>
        %sub3A_317 = arith.subf %sub3A_316, %gather3A_269 : vector<16xf32>
        %bitcast_convert_type3A_318 = tpu.bitcast %sub3A_317 : vector<16xf32> -> vector<16xi32>
        %shift_right_arithmetic3A_319 = arith.constant 23 : i32
        %shift_right_arithmetic3A_320 = vector.broadcast %shift_right_arithmetic3A_319 : i32 to vector<16xi32>
        %shift_right_arithmetic3A_321 = arith.shrsi %bitcast_convert_type3A_318, %shift_right_arithmetic3A_320 : vector<16xi32>
        %sub3A_322 = arith.constant 127 : i32
        %sub3A_323 = vector.broadcast %sub3A_322 : i32 to vector<16xi32>
        %sub3A_324 = arith.subi %shift_right_arithmetic3A_321, %sub3A_323 : vector<16xi32>
        %convert_element_type3A_325 = arith.sitofp %sub3A_324 : vector<16xi32> to vector<16xf32>
        %and3A_326 = arith.constant 8388607 : i32
        %and3A_327 = vector.broadcast %and3A_326 : i32 to vector<16xi32>
        %and3A_328 = arith.andi %bitcast_convert_type3A_318, %and3A_327 : vector<16xi32>
        %or3A_329 = arith.constant 1065353216 : i32
        %or3A_330 = vector.broadcast %or3A_329 : i32 to vector<16xi32>
        %or3A_331 = arith.ori %and3A_328, %or3A_330 : vector<16xi32>
        %bitcast_convert_type3A_332 = tpu.bitcast %or3A_331 : vector<16xi32> -> vector<16xf32>
        %sub3A_333 = arith.constant 1.000000e+00 : f32
        %sub3A_334 = vector.broadcast %sub3A_333 : f32 to vector<16xf32>
        %sub3A_335 = arith.subf %bitcast_convert_type3A_332, %sub3A_334 : vector<16xf32>
        %add3A_336 = arith.constant 1.000000e+00 : f32
        %add3A_337 = vector.broadcast %add3A_336 : f32 to vector<16xf32>
        %add3A_338 = arith.addf %bitcast_convert_type3A_332, %add3A_337 : vector<16xf32>
        %div3A_339 = arith.divf %sub3A_335, %add3A_338 : vector<16xf32>
        %mul3A_340 = arith.mulf %div3A_339, %div3A_339 : vector<16xf32>
        %mul3A_341 = arith.constant 2.000000e+00 : f32
        %mul3A_342 = vector.broadcast %mul3A_341 : f32 to vector<16xf32>
        %mul3A_343 = arith.mulf %mul3A_342, %div3A_339 : vector<16xf32>
        %mul3A_344 = arith.constant 0.142857149 : f32
        %mul3A_345 = vector.broadcast %mul3A_344 : f32 to vector<16xf32>
        %mul3A_346 = arith.mulf %mul3A_340, %mul3A_345 : vector<16xf32>
        %add3A_347 = arith.constant 2.000000e-01 : f32
        %add3A_348 = vector.broadcast %add3A_347 : f32 to vector<16xf32>
        %add3A_349 = arith.addf %add3A_348, %mul3A_346 : vector<16xf32>
        %mul3A_350 = arith.mulf %mul3A_340, %add3A_349 : vector<16xf32>
        %add3A_351 = arith.constant 0.333333343 : f32
        %add3A_352 = vector.broadcast %add3A_351 : f32 to vector<16xf32>
        %add3A_353 = arith.addf %add3A_352, %mul3A_350 : vector<16xf32>
        %mul3A_354 = arith.mulf %mul3A_340, %add3A_353 : vector<16xf32>
        %add3A_355 = arith.constant 1.000000e+00 : f32
        %add3A_356 = vector.broadcast %add3A_355 : f32 to vector<16xf32>
        %add3A_357 = arith.addf %add3A_356, %mul3A_354 : vector<16xf32>
        %mul3A_358 = arith.mulf %mul3A_343, %add3A_357 : vector<16xf32>
        %mul3A_359 = arith.constant 0.693147182 : f32
        %mul3A_360 = vector.broadcast %mul3A_359 : f32 to vector<16xf32>
        %mul3A_361 = arith.mulf %convert_element_type3A_325, %mul3A_360 : vector<16xf32>
        %add3A_362 = arith.addf %mul3A_361, %mul3A_358 : vector<16xf32>
        %max3A_363 = arith.constant -1.000000e+02 : f32
        %max3A_364 = vector.broadcast %max3A_363 : f32 to vector<16xf32>
        %max3A_365 = arith.maximumf %add3A_314, %max3A_364 : vector<16xf32>
        %neg3A_366 = arith.constant 0.000000e+00 : f32
        %neg3A_367 = vector.broadcast %neg3A_366 : f32 to vector<16xf32>
        %neg3A_368 = arith.subf %neg3A_367, %max3A_365 : vector<16xf32>
        %max3A_369 = arith.constant -1.000000e+02 : f32
        %max3A_370 = vector.broadcast %max3A_369 : f32 to vector<16xf32>
        %max3A_371 = arith.maximumf %add3A_362, %max3A_370 : vector<16xf32>
        %neg3A_372 = arith.constant 0.000000e+00 : f32
        %neg3A_373 = vector.broadcast %neg3A_372 : f32 to vector<16xf32>
        %neg3A_374 = arith.subf %neg3A_373, %max3A_371 : vector<16xf32>
        %eq3A_375 = arith.constant 1 : i32
        %eq3A_376 = vector.broadcast %eq3A_375 : i32 to vector<16xi32>
        %eq3A_377 = arith.cmpi eq, %get3A_268, %eq3A_376 : vector<16xi32>
        %eq3A_378 = arith.constant 0 : i32
        %eq3A_379 = vector.broadcast %eq3A_378 : i32 to vector<16xi32>
        %eq3A_380 = arith.cmpi eq, %get3A_268, %eq3A_379 : vector<16xi32>
        %jit3A_381 = arith.constant 1.000000e+00 : f32
        %jit3A_382 = arith.constant 0.000000e+00 : f32
        %broadcast_in_dim3A_383 = vector.broadcast %jit3A_381 : f32 to vector<16xf32>
        %broadcast_in_dim3A_384 = vector.broadcast %jit3A_382 : f32 to vector<16xf32>
        %select_n3A_385 = arith.select %eq3A_377, %broadcast_in_dim3A_383, %broadcast_in_dim3A_384 : vector<16xi1>, vector<16xf32>
        %add3A_386 = arith.addf %add3A_218, %select_n3A_385 : vector<16xf32>
        %jit3A_387 = arith.constant 1.000000e+00 : f32
        %jit3A_388 = arith.constant 0.000000e+00 : f32
        %broadcast_in_dim3A_389 = vector.broadcast %jit3A_387 : f32 to vector<16xf32>
        %broadcast_in_dim3A_390 = vector.broadcast %jit3A_388 : f32 to vector<16xf32>
        %select_n3A_391 = arith.select %eq3A_380, %broadcast_in_dim3A_389, %broadcast_in_dim3A_390 : vector<16xi1>, vector<16xf32>
        %add3A_392 = arith.addf %add3A_224, %select_n3A_391 : vector<16xf32>
        %jit3A_393 = arith.constant 0.000000e+00 : f32
        %broadcast_in_dim3A_394 = vector.broadcast %jit3A_393 : f32 to vector<16xf32>
        %select_n3A_395 = arith.select %eq3A_377, %neg3A_368, %broadcast_in_dim3A_394 : vector<16xi1>, vector<16xf32>
        %add3A_396 = arith.addf %add3A_228, %select_n3A_395 : vector<16xf32>
        %jit3A_397 = arith.constant 0.000000e+00 : f32
        %broadcast_in_dim3A_398 = vector.broadcast %jit3A_397 : f32 to vector<16xf32>
        %select_n3A_399 = arith.select %eq3A_380, %neg3A_374, %broadcast_in_dim3A_398 : vector<16xi1>, vector<16xf32>
        %add3A_400 = arith.addf %add3A_232, %select_n3A_399 : vector<16xf32>
        %eq3A_401 = arith.constant 2 : i32
        %eq3A_402 = vector.broadcast %eq3A_401 : i32 to vector<16xi32>
        %eq3A_403 = arith.cmpi eq, %get3A_268, %eq3A_402 : vector<16xi32>
        %or3A_404 = arith.ori %eq3A_377, %eq3A_403 : vector<16xi1>
        %jit3A_405 = arith.constant 1.000000e+00 : f32
        %jit3A_406 = arith.constant 0.000000e+00 : f32
        %broadcast_in_dim3A_407 = vector.broadcast %jit3A_405 : f32 to vector<16xf32>
        %broadcast_in_dim3A_408 = vector.broadcast %jit3A_406 : f32 to vector<16xf32>
        %select_n3A_409 = arith.select %or3A_404, %broadcast_in_dim3A_407, %broadcast_in_dim3A_408 : vector<16xi1>, vector<16xf32>
        %add3A_410 = arith.addf %add3A_242, %select_n3A_409 : vector<16xf32>
        %eq3A_411 = arith.constant -1 : i32
        %eq3A_412 = vector.broadcast %eq3A_411 : i32 to vector<16xi32>
        %eq3A_413 = arith.cmpi eq, %get3A_268, %eq3A_412 : vector<16xi32>
        %jit3A_414 = arith.constant 1.000000e+00 : f32
        %jit3A_415 = arith.constant 0.000000e+00 : f32
        %broadcast_in_dim3A_416 = vector.broadcast %jit3A_414 : f32 to vector<16xf32>
        %broadcast_in_dim3A_417 = vector.broadcast %jit3A_415 : f32 to vector<16xf32>
        %select_n3A_418 = arith.select %eq3A_413, %broadcast_in_dim3A_416, %broadcast_in_dim3A_417 : vector<16xi1>, vector<16xf32>
        %add3A_419 = arith.addf %add3A_251, %select_n3A_418 : vector<16xf32>
        %jit3A_420 = arith.constant -1.000000e+00 : f32
        %broadcast_in_dim3A_421 = vector.broadcast %jit3A_420 : f32 to vector<16xf32>
        %select_n3A_422 = arith.select %eq3A_380, %neg3A_374, %broadcast_in_dim3A_421 : vector<16xi1>, vector<16xf32>
        %mul3A_423 = arith.constant 16 : i32
        %mul3A_424 = arith.muli %scan3A_260, %mul3A_423 : i32
        %swap3A_425 = arith.index_cast %mul3A_424 : i32 to index
        %swap3A_426 = tpu.vector_load %arg16[%swap3A_425] {strides = array<i32>} : memref<128xf32, #tpu.memory_space<vmem>>, vector<16xf32>,
        tpu.vector_store %arg16[%swap3A_425], %select_n3A_422 {strides = array<i32>} : memref<128xf32, #tpu.memory_space<vmem>>, vector<16xf32>,
        scf.yield %add3A_386, %add3A_392, %add3A_396, %add3A_400, %add3A_410, %add3A_419 : vector<16xf32>, vector<16xf32>, vector<16xf32>, vector<16xf32>, vector<16xf32>, vector<16xf32>
      }
      %scan3A_87 = arith.constant 8 : i32
      "tpu.region"() ({
        %run_scoped3A = tpu.sem_alloc : memref<!tpu.dma_semaphore, #tpu.memory_space<semaphore_mem>>
        %dma_start3A_100 = tpu.memref_slice %arg8[%add3A_39] : memref<262144xf32, #tpu.memory_space<hbm>> -> memref<128xf32, #tpu.memory_space<hbm>>
        %dma_start3A_101 = tpu.memref_slice %arg8[%add3A_39] : memref<262144xf32, #tpu.memory_space<hbm>> -> memref<128xf32, #tpu.memory_space<hbm>>
        tpu.enqueue_dma source(%arg16 : memref<128xf32, #tpu.memory_space<vmem>>) target(%dma_start3A_101 : memref<128xf32, #tpu.memory_space<hbm>>) target_semaphore(%run_scoped3A : memref<!tpu.dma_semaphore, #tpu.memory_space<semaphore_mem>>)
        %dma_wait3A_102 = tpu.memref_slice %arg8[%add3A_39] : memref<262144xf32, #tpu.memory_space<hbm>> -> memref<128xf32, #tpu.memory_space<hbm>>
        %dma_wait3A_103 = tpu.memref_slice %arg8[%add3A_39] : memref<262144xf32, #tpu.memory_space<hbm>> -> memref<128xf32, #tpu.memory_space<hbm>>
        tpu.wait_dma2 semaphore(%run_scoped3A : memref<!tpu.dma_semaphore, #tpu.memory_space<semaphore_mem>>) src(%arg16 : memref<128xf32, #tpu.memory_space<vmem>>) dst(%dma_wait3A_103 : memref<128xf32, #tpu.memory_space<hbm>>)
        tpu.yield
      }) : () -> ()
      %scan3A_88 = arith.constant 0 : i32
      %scan3A_89 = arith.constant 32 : i32
      %scan3A_90 = arith.addi %scan3A_88, %scan3A_89 : i32
      %scan3A_91 = arith.constant 4 : i32
      %scan3A_92 = scf.for %scan3A_100 = %scan3A_88 to %scan3A_90 step %scan3A_91 iter_args(%scan3A_101 = %scan3A_33) -> (vector<16xf32>)  : i32 {
        %mul3A_102 = arith.constant 16 : i32
        %mul3A_103 = arith.muli %scan3A_100, %mul3A_102 : i32
        %add3A_104 = vector.broadcast %mul3A_103 : i32 to vector<16xi32>
        %add3A_105 = arith.addi %add3A_104, %iota3A : vector<16xi32>
        %shift_right_arithmetic3A = arith.constant 2 : i32
        %shift_right_arithmetic3A_106 = vector.broadcast %shift_right_arithmetic3A : i32 to vector<16xi32>
        %shift_right_arithmetic3A_107 = arith.shrsi %add3A_105, %shift_right_arithmetic3A_106 : vector<16xi32>
        %and3A = arith.constant 3 : i32
        %and3A_108 = vector.broadcast %and3A : i32 to vector<16xi32>
        %and3A_109 = arith.andi %add3A_105, %and3A_108 : vector<16xi32>
        %gather3A = tpu.vector_load_idx %arg12[%shift_right_arithmetic3A_107, %and3A_109] : memref<128x4xf32, #tpu.memory_space<vmem>>[vector<16xi32>, vector<16xi32>], vector<16xf32>,
        %gather3A_110 = tpu.vector_load_idx %arg13[%shift_right_arithmetic3A_107, %and3A_109] : memref<128x4xf32, #tpu.memory_space<vmem>>[vector<16xi32>, vector<16xi32>], vector<16xf32>,
        %gather3A_111 = tpu.vector_load_idx %arg10[%shift_right_arithmetic3A_107] : memref<128xi32, #tpu.memory_space<vmem>>[vector<16xi32>], vector<16xi32>,
        %sub3A = arith.subf %gather3A, %gather3A_110 : vector<16xf32>
        %eq3A = arith.constant 1 : i32
        %eq3A_112 = vector.broadcast %eq3A : i32 to vector<16xi32>
        %eq3A_113 = arith.cmpi eq, %gather3A_111, %eq3A_112 : vector<16xi32>
        %eq3A_114 = arith.constant 2 : i32
        %eq3A_115 = vector.broadcast %eq3A_114 : i32 to vector<16xi32>
        %eq3A_116 = arith.cmpi eq, %gather3A_111, %eq3A_115 : vector<16xi32>
        %or3A = arith.ori %eq3A_113, %eq3A_116 : vector<16xi1>
        %mul3A_117 = arith.mulf %sub3A, %sub3A : vector<16xf32>
        %jit3A = arith.constant 0.000000e+00 : f32
        %broadcast_in_dim3A_118 = vector.broadcast %jit3A : f32 to vector<16xf32>
        %select_n3A = arith.select %or3A, %mul3A_117, %broadcast_in_dim3A_118 : vector<16xi1>, vector<16xf32>
        %add3A_119 = arith.addf %scan3A_101, %select_n3A : vector<16xf32>
        %scan3A_120 = arith.constant 1 : i32
        %scan3A_121 = arith.addi %scan3A_100, %scan3A_120 : i32
        %mul3A_122 = arith.constant 16 : i32
        %mul3A_123 = arith.muli %scan3A_121, %mul3A_122 : i32
        %add3A_124 = vector.broadcast %mul3A_123 : i32 to vector<16xi32>
        %add3A_125 = arith.addi %add3A_124, %iota3A : vector<16xi32>
        %shift_right_arithmetic3A_126 = arith.constant 2 : i32
        %shift_right_arithmetic3A_127 = vector.broadcast %shift_right_arithmetic3A_126 : i32 to vector<16xi32>
        %shift_right_arithmetic3A_128 = arith.shrsi %add3A_125, %shift_right_arithmetic3A_127 : vector<16xi32>
        %and3A_129 = arith.constant 3 : i32
        %and3A_130 = vector.broadcast %and3A_129 : i32 to vector<16xi32>
        %and3A_131 = arith.andi %add3A_125, %and3A_130 : vector<16xi32>
        %gather3A_132 = tpu.vector_load_idx %arg12[%shift_right_arithmetic3A_128, %and3A_131] : memref<128x4xf32, #tpu.memory_space<vmem>>[vector<16xi32>, vector<16xi32>], vector<16xf32>,
        %gather3A_133 = tpu.vector_load_idx %arg13[%shift_right_arithmetic3A_128, %and3A_131] : memref<128x4xf32, #tpu.memory_space<vmem>>[vector<16xi32>, vector<16xi32>], vector<16xf32>,
        %gather3A_134 = tpu.vector_load_idx %arg10[%shift_right_arithmetic3A_128] : memref<128xi32, #tpu.memory_space<vmem>>[vector<16xi32>], vector<16xi32>,
        %sub3A_135 = arith.subf %gather3A_132, %gather3A_133 : vector<16xf32>
        %eq3A_136 = arith.constant 1 : i32
        %eq3A_137 = vector.broadcast %eq3A_136 : i32 to vector<16xi32>
        %eq3A_138 = arith.cmpi eq, %gather3A_134, %eq3A_137 : vector<16xi32>
        %eq3A_139 = arith.constant 2 : i32
        %eq3A_140 = vector.broadcast %eq3A_139 : i32 to vector<16xi32>
        %eq3A_141 = arith.cmpi eq, %gather3A_134, %eq3A_140 : vector<16xi32>
        %or3A_142 = arith.ori %eq3A_138, %eq3A_141 : vector<16xi1>
        %mul3A_143 = arith.mulf %sub3A_135, %sub3A_135 : vector<16xf32>
        %jit3A_144 = arith.constant 0.000000e+00 : f32
        %broadcast_in_dim3A_145 = vector.broadcast %jit3A_144 : f32 to vector<16xf32>
        %select_n3A_146 = arith.select %or3A_142, %mul3A_143, %broadcast_in_dim3A_145 : vector<16xi1>, vector<16xf32>
        %add3A_147 = arith.addf %add3A_119, %select_n3A_146 : vector<16xf32>
        %scan3A_148 = arith.constant 2 : i32
        %scan3A_149 = arith.addi %scan3A_100, %scan3A_148 : i32
        %mul3A_150 = arith.constant 16 : i32
        %mul3A_151 = arith.muli %scan3A_149, %mul3A_150 : i32
        %add3A_152 = vector.broadcast %mul3A_151 : i32 to vector<16xi32>
        %add3A_153 = arith.addi %add3A_152, %iota3A : vector<16xi32>
        %shift_right_arithmetic3A_154 = arith.constant 2 : i32
        %shift_right_arithmetic3A_155 = vector.broadcast %shift_right_arithmetic3A_154 : i32 to vector<16xi32>
        %shift_right_arithmetic3A_156 = arith.shrsi %add3A_153, %shift_right_arithmetic3A_155 : vector<16xi32>
        %and3A_157 = arith.constant 3 : i32
        %and3A_158 = vector.broadcast %and3A_157 : i32 to vector<16xi32>
        %and3A_159 = arith.andi %add3A_153, %and3A_158 : vector<16xi32>
        %gather3A_160 = tpu.vector_load_idx %arg12[%shift_right_arithmetic3A_156, %and3A_159] : memref<128x4xf32, #tpu.memory_space<vmem>>[vector<16xi32>, vector<16xi32>], vector<16xf32>,
        %gather3A_161 = tpu.vector_load_idx %arg13[%shift_right_arithmetic3A_156, %and3A_159] : memref<128x4xf32, #tpu.memory_space<vmem>>[vector<16xi32>, vector<16xi32>], vector<16xf32>,
        %gather3A_162 = tpu.vector_load_idx %arg10[%shift_right_arithmetic3A_156] : memref<128xi32, #tpu.memory_space<vmem>>[vector<16xi32>], vector<16xi32>,
        %sub3A_163 = arith.subf %gather3A_160, %gather3A_161 : vector<16xf32>
        %eq3A_164 = arith.constant 1 : i32
        %eq3A_165 = vector.broadcast %eq3A_164 : i32 to vector<16xi32>
        %eq3A_166 = arith.cmpi eq, %gather3A_162, %eq3A_165 : vector<16xi32>
        %eq3A_167 = arith.constant 2 : i32
        %eq3A_168 = vector.broadcast %eq3A_167 : i32 to vector<16xi32>
        %eq3A_169 = arith.cmpi eq, %gather3A_162, %eq3A_168 : vector<16xi32>
        %or3A_170 = arith.ori %eq3A_166, %eq3A_169 : vector<16xi1>
        %mul3A_171 = arith.mulf %sub3A_163, %sub3A_163 : vector<16xf32>
        %jit3A_172 = arith.constant 0.000000e+00 : f32
        %broadcast_in_dim3A_173 = vector.broadcast %jit3A_172 : f32 to vector<16xf32>
        %select_n3A_174 = arith.select %or3A_170, %mul3A_171, %broadcast_in_dim3A_173 : vector<16xi1>, vector<16xf32>
        %add3A_175 = arith.addf %add3A_147, %select_n3A_174 : vector<16xf32>
        %scan3A_176 = arith.constant 3 : i32
        %scan3A_177 = arith.addi %scan3A_100, %scan3A_176 : i32
        %mul3A_178 = arith.constant 16 : i32
        %mul3A_179 = arith.muli %scan3A_177, %mul3A_178 : i32
        %add3A_180 = vector.broadcast %mul3A_179 : i32 to vector<16xi32>
        %add3A_181 = arith.addi %add3A_180, %iota3A : vector<16xi32>
        %shift_right_arithmetic3A_182 = arith.constant 2 : i32
        %shift_right_arithmetic3A_183 = vector.broadcast %shift_right_arithmetic3A_182 : i32 to vector<16xi32>
        %shift_right_arithmetic3A_184 = arith.shrsi %add3A_181, %shift_right_arithmetic3A_183 : vector<16xi32>
        %and3A_185 = arith.constant 3 : i32
        %and3A_186 = vector.broadcast %and3A_185 : i32 to vector<16xi32>
        %and3A_187 = arith.andi %add3A_181, %and3A_186 : vector<16xi32>
        %gather3A_188 = tpu.vector_load_idx %arg12[%shift_right_arithmetic3A_184, %and3A_187] : memref<128x4xf32, #tpu.memory_space<vmem>>[vector<16xi32>, vector<16xi32>], vector<16xf32>,
        %gather3A_189 = tpu.vector_load_idx %arg13[%shift_right_arithmetic3A_184, %and3A_187] : memref<128x4xf32, #tpu.memory_space<vmem>>[vector<16xi32>, vector<16xi32>], vector<16xf32>,
        %gather3A_190 = tpu.vector_load_idx %arg10[%shift_right_arithmetic3A_184] : memref<128xi32, #tpu.memory_space<vmem>>[vector<16xi32>], vector<16xi32>,
        %sub3A_191 = arith.subf %gather3A_188, %gather3A_189 : vector<16xf32>
        %eq3A_192 = arith.constant 1 : i32
        %eq3A_193 = vector.broadcast %eq3A_192 : i32 to vector<16xi32>
        %eq3A_194 = arith.cmpi eq, %gather3A_190, %eq3A_193 : vector<16xi32>
        %eq3A_195 = arith.constant 2 : i32
        %eq3A_196 = vector.broadcast %eq3A_195 : i32 to vector<16xi32>
        %eq3A_197 = arith.cmpi eq, %gather3A_190, %eq3A_196 : vector<16xi32>
        %or3A_198 = arith.ori %eq3A_194, %eq3A_197 : vector<16xi1>
        %mul3A_199 = arith.mulf %sub3A_191, %sub3A_191 : vector<16xf32>
        %jit3A_200 = arith.constant 0.000000e+00 : f32
        %broadcast_in_dim3A_201 = vector.broadcast %jit3A_200 : f32 to vector<16xf32>
        %select_n3A_202 = arith.select %or3A_198, %mul3A_199, %broadcast_in_dim3A_201 : vector<16xi1>, vector<16xf32>
        %add3A_203 = arith.addf %add3A_175, %select_n3A_202 : vector<16xf32>
        scf.yield %add3A_203 : vector<16xf32>
      }
      %scan3A_93 = arith.constant 32 : i32
      %scan3A_94 = arith.constant 0 : i32
      %scan3A_95 = arith.constant 80 : i32
      %scan3A_96 = arith.addi %scan3A_94, %scan3A_95 : i32
      %scan3A_97 = arith.constant 4 : i32
      %scan3A_98 = scf.for %scan3A_100 = %scan3A_94 to %scan3A_96 step %scan3A_97 iter_args(%scan3A_101 = %scan3A_34) -> (vector<16xf32>)  : i32 {
        %mul3A_102 = arith.constant 16 : i32
        %mul3A_103 = arith.muli %scan3A_100, %mul3A_102 : i32
        %add3A_104 = vector.broadcast %mul3A_103 : i32 to vector<16xi32>
        %add3A_105 = arith.addi %add3A_104, %iota3A : vector<16xi32>
        %jit3A = arith.constant 10 : i32
        %div3A = vector.broadcast %jit3A : i32 to vector<16xi32>
        %div3A_106 = arith.divsi %add3A_105, %div3A : vector<16xi32>
        %sign3A = arith.constant 0 : i32
        %sign3A_107 = vector.broadcast %sign3A : i32 to vector<16xi32>
        %sign3A_108 = arith.cmpi sgt, %add3A_105, %sign3A_107 : vector<16xi32>
        %sign3A_109 = arith.extui %sign3A_108 : vector<16xi1> to vector<16xi32>
        %sign3A_110 = arith.constant 0 : i32
        %sign3A_111 = vector.broadcast %sign3A_110 : i32 to vector<16xi32>
        %sign3A_112 = arith.cmpi slt, %add3A_105, %sign3A_111 : vector<16xi32>
        %sign3A_113 = arith.extui %sign3A_112 : vector<16xi1> to vector<16xi32>
        %sign3A_114 = arith.subi %sign3A_109, %sign3A_113 : vector<16xi32>
        %sign3A_115 = arith.constant 0 : i32
        %sign3A_116 = arith.cmpi sgt, %jit3A, %sign3A_115 : i32
        %sign3A_117 = arith.extui %sign3A_116 : i1 to i32
        %sign3A_118 = arith.constant 0 : i32
        %sign3A_119 = arith.cmpi slt, %jit3A, %sign3A_118 : i32
        %sign3A_120 = arith.extui %sign3A_119 : i1 to i32
        %sign3A_121 = arith.subi %sign3A_117, %sign3A_120 : i32
        %ne3A = vector.broadcast %sign3A_121 : i32 to vector<16xi32>
        %ne3A_122 = arith.cmpi ne, %sign3A_114, %ne3A : vector<16xi32>
        %rem3A = vector.broadcast %jit3A : i32 to vector<16xi32>
        %rem3A_123 = arith.remsi %add3A_105, %rem3A : vector<16xi32>
        %ne3A_124 = arith.constant 0 : i32
        %ne3A_125 = vector.broadcast %ne3A_124 : i32 to vector<16xi32>
        %ne3A_126 = arith.cmpi ne, %rem3A_123, %ne3A_125 : vector<16xi32>
        %and3A = arith.andi %ne3A_122, %ne3A_126 : vector<16xi1>
        %sub3A = arith.constant 1 : i32
        %sub3A_127 = vector.broadcast %sub3A : i32 to vector<16xi32>
        %sub3A_128 = arith.subi %div3A_106, %sub3A_127 : vector<16xi32>
        %select_n3A = arith.select %and3A, %sub3A_128, %div3A_106 : vector<16xi1>, vector<16xi32>
        %jit3A_129 = arith.constant 10 : i32
        %eq3A = arith.constant 0 : i32
        %eq3A_130 = arith.cmpi eq, %jit3A_129, %eq3A : i32
        %jit3A_131 = arith.constant 1 : i32
        %select_n3A_132 = arith.select %eq3A_130, %jit3A_131, %jit3A_129 : i32
        %rem3A_133 = vector.broadcast %select_n3A_132 : i32 to vector<16xi32>
        %rem3A_134 = arith.remsi %add3A_105, %rem3A_133 : vector<16xi32>
        %ne3A_135 = arith.constant 0 : i32
        %ne3A_136 = vector.broadcast %ne3A_135 : i32 to vector<16xi32>
        %ne3A_137 = arith.cmpi ne, %rem3A_134, %ne3A_136 : vector<16xi32>
        %lt3A = arith.constant 0 : i32
        %lt3A_138 = vector.broadcast %lt3A : i32 to vector<16xi32>
        %lt3A_139 = arith.cmpi slt, %rem3A_134, %lt3A_138 : vector<16xi32>
        %lt3A_140 = arith.constant 0 : i32
        %lt3A_141 = arith.cmpi slt, %select_n3A_132, %lt3A_140 : i32
        %ne3A_142 = vector.broadcast %lt3A_141 : i1 to vector<16xi1>
        %ne3A_143 = vector.broadcast %ne3A_142 : vector<16xi1> to vector<16xi1>
        %ne3A_144 = arith.xori %lt3A_139, %ne3A_143 : vector<16xi1>
        %and3A_145 = arith.andi %ne3A_144, %ne3A_137 : vector<16xi1>
        %add3A_146 = vector.broadcast %select_n3A_132 : i32 to vector<16xi32>
        %add3A_147 = arith.addi %rem3A_134, %add3A_146 : vector<16xi32>
        %select_n3A_148 = arith.select %and3A_145, %add3A_147, %rem3A_134 : vector<16xi1>, vector<16xi32>
        %gather3A = tpu.vector_load_idx %arg14[%select_n3A, %select_n3A_148] : memref<128x10xf32, #tpu.memory_space<vmem>>[vector<16xi32>, vector<16xi32>], vector<16xf32>,
        %gather3A_149 = tpu.vector_load_idx %arg15[%select_n3A, %select_n3A_148] : memref<128x10xf32, #tpu.memory_space<vmem>>[vector<16xi32>, vector<16xi32>], vector<16xf32>,
        %gather3A_150 = tpu.vector_load_idx %arg10[%select_n3A] : memref<128xi32, #tpu.memory_space<vmem>>[vector<16xi32>], vector<16xi32>,
        %sub3A_151 = arith.subf %gather3A, %gather3A_149 : vector<16xf32>
        %eq3A_152 = arith.constant -1 : i32
        %eq3A_153 = vector.broadcast %eq3A_152 : i32 to vector<16xi32>
        %eq3A_154 = arith.cmpi eq, %gather3A_150, %eq3A_153 : vector<16xi32>
        %mul3A_155 = arith.mulf %sub3A_151, %sub3A_151 : vector<16xf32>
        %jit3A_156 = arith.constant 0.000000e+00 : f32
        %broadcast_in_dim3A_157 = vector.broadcast %jit3A_156 : f32 to vector<16xf32>
        %select_n3A_158 = arith.select %eq3A_154, %mul3A_155, %broadcast_in_dim3A_157 : vector<16xi1>, vector<16xf32>
        %add3A_159 = arith.addf %scan3A_101, %select_n3A_158 : vector<16xf32>
        %scan3A_160 = arith.constant 1 : i32
        %scan3A_161 = arith.addi %scan3A_100, %scan3A_160 : i32
        %mul3A_162 = arith.constant 16 : i32
        %mul3A_163 = arith.muli %scan3A_161, %mul3A_162 : i32
        %add3A_164 = vector.broadcast %mul3A_163 : i32 to vector<16xi32>
        %add3A_165 = arith.addi %add3A_164, %iota3A : vector<16xi32>
        %jit3A_166 = arith.constant 10 : i32
        %div3A_167 = vector.broadcast %jit3A_166 : i32 to vector<16xi32>
        %div3A_168 = arith.divsi %add3A_165, %div3A_167 : vector<16xi32>
        %sign3A_169 = arith.constant 0 : i32
        %sign3A_170 = vector.broadcast %sign3A_169 : i32 to vector<16xi32>
        %sign3A_171 = arith.cmpi sgt, %add3A_165, %sign3A_170 : vector<16xi32>
        %sign3A_172 = arith.extui %sign3A_171 : vector<16xi1> to vector<16xi32>
        %sign3A_173 = arith.constant 0 : i32
        %sign3A_174 = vector.broadcast %sign3A_173 : i32 to vector<16xi32>
        %sign3A_175 = arith.cmpi slt, %add3A_165, %sign3A_174 : vector<16xi32>
        %sign3A_176 = arith.extui %sign3A_175 : vector<16xi1> to vector<16xi32>
        %sign3A_177 = arith.subi %sign3A_172, %sign3A_176 : vector<16xi32>
        %sign3A_178 = arith.constant 0 : i32
        %sign3A_179 = arith.cmpi sgt, %jit3A_166, %sign3A_178 : i32
        %sign3A_180 = arith.extui %sign3A_179 : i1 to i32
        %sign3A_181 = arith.constant 0 : i32
        %sign3A_182 = arith.cmpi slt, %jit3A_166, %sign3A_181 : i32
        %sign3A_183 = arith.extui %sign3A_182 : i1 to i32
        %sign3A_184 = arith.subi %sign3A_180, %sign3A_183 : i32
        %ne3A_185 = vector.broadcast %sign3A_184 : i32 to vector<16xi32>
        %ne3A_186 = arith.cmpi ne, %sign3A_177, %ne3A_185 : vector<16xi32>
        %rem3A_187 = vector.broadcast %jit3A_166 : i32 to vector<16xi32>
        %rem3A_188 = arith.remsi %add3A_165, %rem3A_187 : vector<16xi32>
        %ne3A_189 = arith.constant 0 : i32
        %ne3A_190 = vector.broadcast %ne3A_189 : i32 to vector<16xi32>
        %ne3A_191 = arith.cmpi ne, %rem3A_188, %ne3A_190 : vector<16xi32>
        %and3A_192 = arith.andi %ne3A_186, %ne3A_191 : vector<16xi1>
        %sub3A_193 = arith.constant 1 : i32
        %sub3A_194 = vector.broadcast %sub3A_193 : i32 to vector<16xi32>
        %sub3A_195 = arith.subi %div3A_168, %sub3A_194 : vector<16xi32>
        %select_n3A_196 = arith.select %and3A_192, %sub3A_195, %div3A_168 : vector<16xi1>, vector<16xi32>
        %jit3A_197 = arith.constant 10 : i32
        %eq3A_198 = arith.constant 0 : i32
        %eq3A_199 = arith.cmpi eq, %jit3A_197, %eq3A_198 : i32
        %jit3A_200 = arith.constant 1 : i32
        %select_n3A_201 = arith.select %eq3A_199, %jit3A_200, %jit3A_197 : i32
        %rem3A_202 = vector.broadcast %select_n3A_201 : i32 to vector<16xi32>
        %rem3A_203 = arith.remsi %add3A_165, %rem3A_202 : vector<16xi32>
        %ne3A_204 = arith.constant 0 : i32
        %ne3A_205 = vector.broadcast %ne3A_204 : i32 to vector<16xi32>
        %ne3A_206 = arith.cmpi ne, %rem3A_203, %ne3A_205 : vector<16xi32>
        %lt3A_207 = arith.constant 0 : i32
        %lt3A_208 = vector.broadcast %lt3A_207 : i32 to vector<16xi32>
        %lt3A_209 = arith.cmpi slt, %rem3A_203, %lt3A_208 : vector<16xi32>
        %lt3A_210 = arith.constant 0 : i32
        %lt3A_211 = arith.cmpi slt, %select_n3A_201, %lt3A_210 : i32
        %ne3A_212 = vector.broadcast %lt3A_211 : i1 to vector<16xi1>
        %ne3A_213 = vector.broadcast %ne3A_212 : vector<16xi1> to vector<16xi1>
        %ne3A_214 = arith.xori %lt3A_209, %ne3A_213 : vector<16xi1>
        %and3A_215 = arith.andi %ne3A_214, %ne3A_206 : vector<16xi1>
        %add3A_216 = vector.broadcast %select_n3A_201 : i32 to vector<16xi32>
        %add3A_217 = arith.addi %rem3A_203, %add3A_216 : vector<16xi32>
        %select_n3A_218 = arith.select %and3A_215, %add3A_217, %rem3A_203 : vector<16xi1>, vector<16xi32>
        %gather3A_219 = tpu.vector_load_idx %arg14[%select_n3A_196, %select_n3A_218] : memref<128x10xf32, #tpu.memory_space<vmem>>[vector<16xi32>, vector<16xi32>], vector<16xf32>,
        %gather3A_220 = tpu.vector_load_idx %arg15[%select_n3A_196, %select_n3A_218] : memref<128x10xf32, #tpu.memory_space<vmem>>[vector<16xi32>, vector<16xi32>], vector<16xf32>,
        %gather3A_221 = tpu.vector_load_idx %arg10[%select_n3A_196] : memref<128xi32, #tpu.memory_space<vmem>>[vector<16xi32>], vector<16xi32>,
        %sub3A_222 = arith.subf %gather3A_219, %gather3A_220 : vector<16xf32>
        %eq3A_223 = arith.constant -1 : i32
        %eq3A_224 = vector.broadcast %eq3A_223 : i32 to vector<16xi32>
        %eq3A_225 = arith.cmpi eq, %gather3A_221, %eq3A_224 : vector<16xi32>
        %mul3A_226 = arith.mulf %sub3A_222, %sub3A_222 : vector<16xf32>
        %jit3A_227 = arith.constant 0.000000e+00 : f32
        %broadcast_in_dim3A_228 = vector.broadcast %jit3A_227 : f32 to vector<16xf32>
        %select_n3A_229 = arith.select %eq3A_225, %mul3A_226, %broadcast_in_dim3A_228 : vector<16xi1>, vector<16xf32>
        %add3A_230 = arith.addf %add3A_159, %select_n3A_229 : vector<16xf32>
        %scan3A_231 = arith.constant 2 : i32
        %scan3A_232 = arith.addi %scan3A_100, %scan3A_231 : i32
        %mul3A_233 = arith.constant 16 : i32
        %mul3A_234 = arith.muli %scan3A_232, %mul3A_233 : i32
        %add3A_235 = vector.broadcast %mul3A_234 : i32 to vector<16xi32>
        %add3A_236 = arith.addi %add3A_235, %iota3A : vector<16xi32>
        %jit3A_237 = arith.constant 10 : i32
        %div3A_238 = vector.broadcast %jit3A_237 : i32 to vector<16xi32>
        %div3A_239 = arith.divsi %add3A_236, %div3A_238 : vector<16xi32>
        %sign3A_240 = arith.constant 0 : i32
        %sign3A_241 = vector.broadcast %sign3A_240 : i32 to vector<16xi32>
        %sign3A_242 = arith.cmpi sgt, %add3A_236, %sign3A_241 : vector<16xi32>
        %sign3A_243 = arith.extui %sign3A_242 : vector<16xi1> to vector<16xi32>
        %sign3A_244 = arith.constant 0 : i32
        %sign3A_245 = vector.broadcast %sign3A_244 : i32 to vector<16xi32>
        %sign3A_246 = arith.cmpi slt, %add3A_236, %sign3A_245 : vector<16xi32>
        %sign3A_247 = arith.extui %sign3A_246 : vector<16xi1> to vector<16xi32>
        %sign3A_248 = arith.subi %sign3A_243, %sign3A_247 : vector<16xi32>
        %sign3A_249 = arith.constant 0 : i32
        %sign3A_250 = arith.cmpi sgt, %jit3A_237, %sign3A_249 : i32
        %sign3A_251 = arith.extui %sign3A_250 : i1 to i32
        %sign3A_252 = arith.constant 0 : i32
        %sign3A_253 = arith.cmpi slt, %jit3A_237, %sign3A_252 : i32
        %sign3A_254 = arith.extui %sign3A_253 : i1 to i32
        %sign3A_255 = arith.subi %sign3A_251, %sign3A_254 : i32
        %ne3A_256 = vector.broadcast %sign3A_255 : i32 to vector<16xi32>
        %ne3A_257 = arith.cmpi ne, %sign3A_248, %ne3A_256 : vector<16xi32>
        %rem3A_258 = vector.broadcast %jit3A_237 : i32 to vector<16xi32>
        %rem3A_259 = arith.remsi %add3A_236, %rem3A_258 : vector<16xi32>
        %ne3A_260 = arith.constant 0 : i32
        %ne3A_261 = vector.broadcast %ne3A_260 : i32 to vector<16xi32>
        %ne3A_262 = arith.cmpi ne, %rem3A_259, %ne3A_261 : vector<16xi32>
        %and3A_263 = arith.andi %ne3A_257, %ne3A_262 : vector<16xi1>
        %sub3A_264 = arith.constant 1 : i32
        %sub3A_265 = vector.broadcast %sub3A_264 : i32 to vector<16xi32>
        %sub3A_266 = arith.subi %div3A_239, %sub3A_265 : vector<16xi32>
        %select_n3A_267 = arith.select %and3A_263, %sub3A_266, %div3A_239 : vector<16xi1>, vector<16xi32>
        %jit3A_268 = arith.constant 10 : i32
        %eq3A_269 = arith.constant 0 : i32
        %eq3A_270 = arith.cmpi eq, %jit3A_268, %eq3A_269 : i32
        %jit3A_271 = arith.constant 1 : i32
        %select_n3A_272 = arith.select %eq3A_270, %jit3A_271, %jit3A_268 : i32
        %rem3A_273 = vector.broadcast %select_n3A_272 : i32 to vector<16xi32>
        %rem3A_274 = arith.remsi %add3A_236, %rem3A_273 : vector<16xi32>
        %ne3A_275 = arith.constant 0 : i32
        %ne3A_276 = vector.broadcast %ne3A_275 : i32 to vector<16xi32>
        %ne3A_277 = arith.cmpi ne, %rem3A_274, %ne3A_276 : vector<16xi32>
        %lt3A_278 = arith.constant 0 : i32
        %lt3A_279 = vector.broadcast %lt3A_278 : i32 to vector<16xi32>
        %lt3A_280 = arith.cmpi slt, %rem3A_274, %lt3A_279 : vector<16xi32>
        %lt3A_281 = arith.constant 0 : i32
        %lt3A_282 = arith.cmpi slt, %select_n3A_272, %lt3A_281 : i32
        %ne3A_283 = vector.broadcast %lt3A_282 : i1 to vector<16xi1>
        %ne3A_284 = vector.broadcast %ne3A_283 : vector<16xi1> to vector<16xi1>
        %ne3A_285 = arith.xori %lt3A_280, %ne3A_284 : vector<16xi1>
        %and3A_286 = arith.andi %ne3A_285, %ne3A_277 : vector<16xi1>
        %add3A_287 = vector.broadcast %select_n3A_272 : i32 to vector<16xi32>
        %add3A_288 = arith.addi %rem3A_274, %add3A_287 : vector<16xi32>
        %select_n3A_289 = arith.select %and3A_286, %add3A_288, %rem3A_274 : vector<16xi1>, vector<16xi32>
        %gather3A_290 = tpu.vector_load_idx %arg14[%select_n3A_267, %select_n3A_289] : memref<128x10xf32, #tpu.memory_space<vmem>>[vector<16xi32>, vector<16xi32>], vector<16xf32>,
        %gather3A_291 = tpu.vector_load_idx %arg15[%select_n3A_267, %select_n3A_289] : memref<128x10xf32, #tpu.memory_space<vmem>>[vector<16xi32>, vector<16xi32>], vector<16xf32>,
        %gather3A_292 = tpu.vector_load_idx %arg10[%select_n3A_267] : memref<128xi32, #tpu.memory_space<vmem>>[vector<16xi32>], vector<16xi32>,
        %sub3A_293 = arith.subf %gather3A_290, %gather3A_291 : vector<16xf32>
        %eq3A_294 = arith.constant -1 : i32
        %eq3A_295 = vector.broadcast %eq3A_294 : i32 to vector<16xi32>
        %eq3A_296 = arith.cmpi eq, %gather3A_292, %eq3A_295 : vector<16xi32>
        %mul3A_297 = arith.mulf %sub3A_293, %sub3A_293 : vector<16xf32>
        %jit3A_298 = arith.constant 0.000000e+00 : f32
        %broadcast_in_dim3A_299 = vector.broadcast %jit3A_298 : f32 to vector<16xf32>
        %select_n3A_300 = arith.select %eq3A_296, %mul3A_297, %broadcast_in_dim3A_299 : vector<16xi1>, vector<16xf32>
        %add3A_301 = arith.addf %add3A_230, %select_n3A_300 : vector<16xf32>
        %scan3A_302 = arith.constant 3 : i32
        %scan3A_303 = arith.addi %scan3A_100, %scan3A_302 : i32
        %mul3A_304 = arith.constant 16 : i32
        %mul3A_305 = arith.muli %scan3A_303, %mul3A_304 : i32
        %add3A_306 = vector.broadcast %mul3A_305 : i32 to vector<16xi32>
        %add3A_307 = arith.addi %add3A_306, %iota3A : vector<16xi32>
        %jit3A_308 = arith.constant 10 : i32
        %div3A_309 = vector.broadcast %jit3A_308 : i32 to vector<16xi32>
        %div3A_310 = arith.divsi %add3A_307, %div3A_309 : vector<16xi32>
        %sign3A_311 = arith.constant 0 : i32
        %sign3A_312 = vector.broadcast %sign3A_311 : i32 to vector<16xi32>
        %sign3A_313 = arith.cmpi sgt, %add3A_307, %sign3A_312 : vector<16xi32>
        %sign3A_314 = arith.extui %sign3A_313 : vector<16xi1> to vector<16xi32>
        %sign3A_315 = arith.constant 0 : i32
        %sign3A_316 = vector.broadcast %sign3A_315 : i32 to vector<16xi32>
        %sign3A_317 = arith.cmpi slt, %add3A_307, %sign3A_316 : vector<16xi32>
        %sign3A_318 = arith.extui %sign3A_317 : vector<16xi1> to vector<16xi32>
        %sign3A_319 = arith.subi %sign3A_314, %sign3A_318 : vector<16xi32>
        %sign3A_320 = arith.constant 0 : i32
        %sign3A_321 = arith.cmpi sgt, %jit3A_308, %sign3A_320 : i32
        %sign3A_322 = arith.extui %sign3A_321 : i1 to i32
        %sign3A_323 = arith.constant 0 : i32
        %sign3A_324 = arith.cmpi slt, %jit3A_308, %sign3A_323 : i32
        %sign3A_325 = arith.extui %sign3A_324 : i1 to i32
        %sign3A_326 = arith.subi %sign3A_322, %sign3A_325 : i32
        %ne3A_327 = vector.broadcast %sign3A_326 : i32 to vector<16xi32>
        %ne3A_328 = arith.cmpi ne, %sign3A_319, %ne3A_327 : vector<16xi32>
        %rem3A_329 = vector.broadcast %jit3A_308 : i32 to vector<16xi32>
        %rem3A_330 = arith.remsi %add3A_307, %rem3A_329 : vector<16xi32>
        %ne3A_331 = arith.constant 0 : i32
        %ne3A_332 = vector.broadcast %ne3A_331 : i32 to vector<16xi32>
        %ne3A_333 = arith.cmpi ne, %rem3A_330, %ne3A_332 : vector<16xi32>
        %and3A_334 = arith.andi %ne3A_328, %ne3A_333 : vector<16xi1>
        %sub3A_335 = arith.constant 1 : i32
        %sub3A_336 = vector.broadcast %sub3A_335 : i32 to vector<16xi32>
        %sub3A_337 = arith.subi %div3A_310, %sub3A_336 : vector<16xi32>
        %select_n3A_338 = arith.select %and3A_334, %sub3A_337, %div3A_310 : vector<16xi1>, vector<16xi32>
        %jit3A_339 = arith.constant 10 : i32
        %eq3A_340 = arith.constant 0 : i32
        %eq3A_341 = arith.cmpi eq, %jit3A_339, %eq3A_340 : i32
        %jit3A_342 = arith.constant 1 : i32
        %select_n3A_343 = arith.select %eq3A_341, %jit3A_342, %jit3A_339 : i32
        %rem3A_344 = vector.broadcast %select_n3A_343 : i32 to vector<16xi32>
        %rem3A_345 = arith.remsi %add3A_307, %rem3A_344 : vector<16xi32>
        %ne3A_346 = arith.constant 0 : i32
        %ne3A_347 = vector.broadcast %ne3A_346 : i32 to vector<16xi32>
        %ne3A_348 = arith.cmpi ne, %rem3A_345, %ne3A_347 : vector<16xi32>
        %lt3A_349 = arith.constant 0 : i32
        %lt3A_350 = vector.broadcast %lt3A_349 : i32 to vector<16xi32>
        %lt3A_351 = arith.cmpi slt, %rem3A_345, %lt3A_350 : vector<16xi32>
        %lt3A_352 = arith.constant 0 : i32
        %lt3A_353 = arith.cmpi slt, %select_n3A_343, %lt3A_352 : i32
        %ne3A_354 = vector.broadcast %lt3A_353 : i1 to vector<16xi1>
        %ne3A_355 = vector.broadcast %ne3A_354 : vector<16xi1> to vector<16xi1>
        %ne3A_356 = arith.xori %lt3A_351, %ne3A_355 : vector<16xi1>
        %and3A_357 = arith.andi %ne3A_356, %ne3A_348 : vector<16xi1>
        %add3A_358 = vector.broadcast %select_n3A_343 : i32 to vector<16xi32>
        %add3A_359 = arith.addi %rem3A_345, %add3A_358 : vector<16xi32>
        %select_n3A_360 = arith.select %and3A_357, %add3A_359, %rem3A_345 : vector<16xi1>, vector<16xi32>
        %gather3A_361 = tpu.vector_load_idx %arg14[%select_n3A_338, %select_n3A_360] : memref<128x10xf32, #tpu.memory_space<vmem>>[vector<16xi32>, vector<16xi32>], vector<16xf32>,
        %gather3A_362 = tpu.vector_load_idx %arg15[%select_n3A_338, %select_n3A_360] : memref<128x10xf32, #tpu.memory_space<vmem>>[vector<16xi32>, vector<16xi32>], vector<16xf32>,
        %gather3A_363 = tpu.vector_load_idx %arg10[%select_n3A_338] : memref<128xi32, #tpu.memory_space<vmem>>[vector<16xi32>], vector<16xi32>,
        %sub3A_364 = arith.subf %gather3A_361, %gather3A_362 : vector<16xf32>
        %eq3A_365 = arith.constant -1 : i32
        %eq3A_366 = vector.broadcast %eq3A_365 : i32 to vector<16xi32>
        %eq3A_367 = arith.cmpi eq, %gather3A_363, %eq3A_366 : vector<16xi32>
        %mul3A_368 = arith.mulf %sub3A_364, %sub3A_364 : vector<16xf32>
        %jit3A_369 = arith.constant 0.000000e+00 : f32
        %broadcast_in_dim3A_370 = vector.broadcast %jit3A_369 : f32 to vector<16xf32>
        %select_n3A_371 = arith.select %eq3A_367, %mul3A_368, %broadcast_in_dim3A_370 : vector<16xi1>, vector<16xf32>
        %add3A_372 = arith.addf %add3A_301, %select_n3A_371 : vector<16xf32>
        scf.yield %add3A_372 : vector<16xf32>
      }
      %scan3A_99 = arith.constant 80 : i32
      scf.yield %scan3A_86#0, %scan3A_86#1, %scan3A_86#2, %scan3A_86#3, %scan3A_86#4, %scan3A_86#5, %scan3A_92, %scan3A_98 : vector<16xf32>, vector<16xf32>, vector<16xf32>, vector<16xf32>, vector<16xf32>, vector<16xf32>, vector<16xf32>, vector<16xf32>
    }
    %scan3A_8 = arith.constant 64 : i32
    %swap3A = arith.constant 0 : index
    %swap3A_9 = tpu.vector_load %arg17[%swap3A] {strides = array<i32>} : memref<128xf32, #tpu.memory_space<vmem>>, vector<16xf32>,
    tpu.vector_store %arg17[%swap3A], %scan3A_7#0 {strides = array<i32>} : memref<128xf32, #tpu.memory_space<vmem>>, vector<16xf32>,
    %swap3A_10 = arith.constant 16 : index
    %swap3A_11 = tpu.vector_load %arg17[%swap3A_10] {strides = array<i32>} : memref<128xf32, #tpu.memory_space<vmem>>, vector<16xf32>,
    tpu.vector_store %arg17[%swap3A_10], %scan3A_7#1 {strides = array<i32>} : memref<128xf32, #tpu.memory_space<vmem>>, vector<16xf32>,
    %swap3A_12 = arith.constant 32 : index
    %swap3A_13 = tpu.vector_load %arg17[%swap3A_12] {strides = array<i32>} : memref<128xf32, #tpu.memory_space<vmem>>, vector<16xf32>,
    tpu.vector_store %arg17[%swap3A_12], %scan3A_7#2 {strides = array<i32>} : memref<128xf32, #tpu.memory_space<vmem>>, vector<16xf32>,
    %swap3A_14 = arith.constant 48 : index
    %swap3A_15 = tpu.vector_load %arg17[%swap3A_14] {strides = array<i32>} : memref<128xf32, #tpu.memory_space<vmem>>, vector<16xf32>,
    tpu.vector_store %arg17[%swap3A_14], %scan3A_7#3 {strides = array<i32>} : memref<128xf32, #tpu.memory_space<vmem>>, vector<16xf32>,
    %swap3A_16 = arith.constant 64 : index
    %swap3A_17 = tpu.vector_load %arg17[%swap3A_16] {strides = array<i32>} : memref<128xf32, #tpu.memory_space<vmem>>, vector<16xf32>,
    tpu.vector_store %arg17[%swap3A_16], %scan3A_7#4 {strides = array<i32>} : memref<128xf32, #tpu.memory_space<vmem>>, vector<16xf32>,
    %swap3A_18 = arith.constant 80 : index
    %swap3A_19 = tpu.vector_load %arg17[%swap3A_18] {strides = array<i32>} : memref<128xf32, #tpu.memory_space<vmem>>, vector<16xf32>,
    tpu.vector_store %arg17[%swap3A_18], %scan3A_7#6 {strides = array<i32>} : memref<128xf32, #tpu.memory_space<vmem>>, vector<16xf32>,
    %swap3A_20 = arith.constant 96 : index
    %swap3A_21 = tpu.vector_load %arg17[%swap3A_20] {strides = array<i32>} : memref<128xf32, #tpu.memory_space<vmem>>, vector<16xf32>,
    tpu.vector_store %arg17[%swap3A_20], %scan3A_7#5 {strides = array<i32>} : memref<128xf32, #tpu.memory_space<vmem>>, vector<16xf32>,
    %swap3A_22 = arith.constant 112 : index
    %swap3A_23 = tpu.vector_load %arg17[%swap3A_22] {strides = array<i32>} : memref<128xf32, #tpu.memory_space<vmem>>, vector<16xf32>,
    tpu.vector_store %arg17[%swap3A_22], %scan3A_7#7 {strides = array<i32>} : memref<128xf32, #tpu.memory_space<vmem>>, vector<16xf32>,
    %mul3A_24 = arith.constant 128 : i32
    %mul3A_25 = arith.muli %add3A, %mul3A_24 : i32
    "tpu.region"() ({
      %run_scoped3A = tpu.sem_alloc : memref<!tpu.dma_semaphore, #tpu.memory_space<semaphore_mem>>
      %dma_start3A = tpu.memref_slice %arg9[%mul3A_25] : memref<4096xf32, #tpu.memory_space<hbm>> -> memref<128xf32, #tpu.memory_space<hbm>>
      %dma_start3A_26 = tpu.memref_slice %arg9[%mul3A_25] : memref<4096xf32, #tpu.memory_space<hbm>> -> memref<128xf32, #tpu.memory_space<hbm>>
      tpu.enqueue_dma source(%arg17 : memref<128xf32, #tpu.memory_space<vmem>>) target(%dma_start3A_26 : memref<128xf32, #tpu.memory_space<hbm>>) target_semaphore(%run_scoped3A : memref<!tpu.dma_semaphore, #tpu.memory_space<semaphore_mem>>)
      %dma_wait3A = tpu.memref_slice %arg9[%mul3A_25] : memref<4096xf32, #tpu.memory_space<hbm>> -> memref<128xf32, #tpu.memory_space<hbm>>
      %dma_wait3A_27 = tpu.memref_slice %arg9[%mul3A_25] : memref<4096xf32, #tpu.memory_space<hbm>> -> memref<128xf32, #tpu.memory_space<hbm>>
      tpu.wait_dma2 semaphore(%run_scoped3A : memref<!tpu.dma_semaphore, #tpu.memory_space<semaphore_mem>>) src(%arg17 : memref<128xf32, #tpu.memory_space<vmem>>) dst(%dma_wait3A_27 : memref<128xf32, #tpu.memory_space<hbm>>)
      tpu.yield
    }) : () -> ()
    return
  }
}

module attributes {stable_mosaic.version = 14 : i64} {
  func.func @_tc_body(%arg0: memref<2048x128xf32, #tpu.memory_space<vmem>>, %arg1: memref<32x128xf32, #tpu.memory_space<vmem>>, %arg2: memref<1x1xf32, #tpu.memory_space<smem>>) attributes {dimension_semantics = [], scalar_prefetch = 0 : i64, scratch_operands = 0 : i64, tpu.core_type = #tpu.core_type<tc>} {
    %get3A = arith.constant 0 : index
    %get3A_0 = arith.constant 0 : index
    %get3A_1 = vector.load %arg1[%get3A, %get3A_0] : memref<32x128xf32, #tpu.memory_space<vmem>>, vector<32x128xf32>
    %slice3A = vector.extract_strided_slice %get3A_1 {offsets = [0, 0], sizes = [32, 16], strides = [1, 1]} : vector<32x128xf32> to vector<32x16xf32>
    %reduce_sum3A = vector.shape_cast %slice3A : vector<32x16xf32> to vector<1x32x16xf32>
    %reduce_sum3A_2 = arith.constant dense<0.000000e+00> : vector<1xf32>
    %reduce_sum3A_3 = vector.multi_reduction <add>, %reduce_sum3A, %reduce_sum3A_2 [1, 2] : vector<1x32x16xf32> to vector<1xf32>
    %reduce_sum3A_4 = vector.shape_cast %reduce_sum3A_3 : vector<1xf32> to vector<1x1x1xf32>
    %reduce_sum3A_5 = vector.extract %reduce_sum3A_4[0, 0, 0] : f32 from vector<1x1x1xf32>
    %slice3A_6 = vector.extract_strided_slice %get3A_1 {offsets = [0, 16], sizes = [32, 16], strides = [1, 1]} : vector<32x128xf32> to vector<32x16xf32>
    %reduce_sum3A_7 = vector.shape_cast %slice3A_6 : vector<32x16xf32> to vector<1x32x16xf32>
    %reduce_sum3A_8 = arith.constant dense<0.000000e+00> : vector<1xf32>
    %reduce_sum3A_9 = vector.multi_reduction <add>, %reduce_sum3A_7, %reduce_sum3A_8 [1, 2] : vector<1x32x16xf32> to vector<1xf32>
    %reduce_sum3A_10 = vector.shape_cast %reduce_sum3A_9 : vector<1xf32> to vector<1x1x1xf32>
    %reduce_sum3A_11 = vector.extract %reduce_sum3A_10[0, 0, 0] : f32 from vector<1x1x1xf32>
    %slice3A_12 = vector.extract_strided_slice %get3A_1 {offsets = [0, 32], sizes = [32, 16], strides = [1, 1]} : vector<32x128xf32> to vector<32x16xf32>
    %reduce_sum3A_13 = vector.shape_cast %slice3A_12 : vector<32x16xf32> to vector<1x32x16xf32>
    %reduce_sum3A_14 = arith.constant dense<0.000000e+00> : vector<1xf32>
    %reduce_sum3A_15 = vector.multi_reduction <add>, %reduce_sum3A_13, %reduce_sum3A_14 [1, 2] : vector<1x32x16xf32> to vector<1xf32>
    %reduce_sum3A_16 = vector.shape_cast %reduce_sum3A_15 : vector<1xf32> to vector<1x1x1xf32>
    %reduce_sum3A_17 = vector.extract %reduce_sum3A_16[0, 0, 0] : f32 from vector<1x1x1xf32>
    %slice3A_18 = vector.extract_strided_slice %get3A_1 {offsets = [0, 48], sizes = [32, 16], strides = [1, 1]} : vector<32x128xf32> to vector<32x16xf32>
    %reduce_sum3A_19 = vector.shape_cast %slice3A_18 : vector<32x16xf32> to vector<1x32x16xf32>
    %reduce_sum3A_20 = arith.constant dense<0.000000e+00> : vector<1xf32>
    %reduce_sum3A_21 = vector.multi_reduction <add>, %reduce_sum3A_19, %reduce_sum3A_20 [1, 2] : vector<1x32x16xf32> to vector<1xf32>
    %reduce_sum3A_22 = vector.shape_cast %reduce_sum3A_21 : vector<1xf32> to vector<1x1x1xf32>
    %reduce_sum3A_23 = vector.extract %reduce_sum3A_22[0, 0, 0] : f32 from vector<1x1x1xf32>
    %slice3A_24 = vector.extract_strided_slice %get3A_1 {offsets = [0, 64], sizes = [32, 16], strides = [1, 1]} : vector<32x128xf32> to vector<32x16xf32>
    %reduce_sum3A_25 = vector.shape_cast %slice3A_24 : vector<32x16xf32> to vector<1x32x16xf32>
    %reduce_sum3A_26 = arith.constant dense<0.000000e+00> : vector<1xf32>
    %reduce_sum3A_27 = vector.multi_reduction <add>, %reduce_sum3A_25, %reduce_sum3A_26 [1, 2] : vector<1x32x16xf32> to vector<1xf32>
    %reduce_sum3A_28 = vector.shape_cast %reduce_sum3A_27 : vector<1xf32> to vector<1x1x1xf32>
    %reduce_sum3A_29 = vector.extract %reduce_sum3A_28[0, 0, 0] : f32 from vector<1x1x1xf32>
    %slice3A_30 = vector.extract_strided_slice %get3A_1 {offsets = [0, 80], sizes = [32, 16], strides = [1, 1]} : vector<32x128xf32> to vector<32x16xf32>
    %reduce_sum3A_31 = vector.shape_cast %slice3A_30 : vector<32x16xf32> to vector<1x32x16xf32>
    %reduce_sum3A_32 = arith.constant dense<0.000000e+00> : vector<1xf32>
    %reduce_sum3A_33 = vector.multi_reduction <add>, %reduce_sum3A_31, %reduce_sum3A_32 [1, 2] : vector<1x32x16xf32> to vector<1xf32>
    %reduce_sum3A_34 = vector.shape_cast %reduce_sum3A_33 : vector<1xf32> to vector<1x1x1xf32>
    %reduce_sum3A_35 = vector.extract %reduce_sum3A_34[0, 0, 0] : f32 from vector<1x1x1xf32>
    %slice3A_36 = vector.extract_strided_slice %get3A_1 {offsets = [0, 96], sizes = [32, 16], strides = [1, 1]} : vector<32x128xf32> to vector<32x16xf32>
    %reduce_sum3A_37 = vector.shape_cast %slice3A_36 : vector<32x16xf32> to vector<1x32x16xf32>
    %reduce_sum3A_38 = arith.constant dense<0.000000e+00> : vector<1xf32>
    %reduce_sum3A_39 = vector.multi_reduction <add>, %reduce_sum3A_37, %reduce_sum3A_38 [1, 2] : vector<1x32x16xf32> to vector<1xf32>
    %reduce_sum3A_40 = vector.shape_cast %reduce_sum3A_39 : vector<1xf32> to vector<1x1x1xf32>
    %reduce_sum3A_41 = vector.extract %reduce_sum3A_40[0, 0, 0] : f32 from vector<1x1x1xf32>
    %slice3A_42 = vector.extract_strided_slice %get3A_1 {offsets = [0, 112], sizes = [32, 16], strides = [1, 1]} : vector<32x128xf32> to vector<32x16xf32>
    %reduce_sum3A_43 = vector.shape_cast %slice3A_42 : vector<32x16xf32> to vector<1x32x16xf32>
    %reduce_sum3A_44 = arith.constant dense<0.000000e+00> : vector<1xf32>
    %reduce_sum3A_45 = vector.multi_reduction <add>, %reduce_sum3A_43, %reduce_sum3A_44 [1, 2] : vector<1x32x16xf32> to vector<1xf32>
    %reduce_sum3A_46 = vector.shape_cast %reduce_sum3A_45 : vector<1xf32> to vector<1x1x1xf32>
    %reduce_sum3A_47 = vector.extract %reduce_sum3A_46[0, 0, 0] : f32 from vector<1x1x1xf32>
    %get3A_48 = arith.constant 0 : index
    %get3A_49 = arith.constant 0 : index
    %get3A_50 = vector.load %arg0[%get3A_48, %get3A_49] : memref<2048x128xf32, #tpu.memory_space<vmem>>, vector<2048x128xf32>
    %bitcast_convert_type3A = tpu.bitcast %get3A_50 : vector<2048x128xf32> -> vector<2048x128xi32>
    %convert_element_type3A = arith.fptosi %reduce_sum3A_5 : f32 to i32
    %scan3A = arith.constant 0 : i32
    %scan3A_51 = arith.constant 1124073472 : i32
    %scan3A_52 = arith.constant 0 : i32
    %scan3A_53 = arith.constant 31 : i32
    %scan3A_54 = arith.addi %scan3A_52, %scan3A_53 : i32
    %scan3A_55 = arith.constant 1 : i32
    %scan3A_56:2 = scf.for %scan3A_89 = %scan3A_52 to %scan3A_54 step %scan3A_55 iter_args(%scan3A_90 = %scan3A, %scan3A_91 = %scan3A_51) -> (i32, i32)  : i32 {
      %add3A_92 = arith.addi %scan3A_90, %scan3A_91 : i32
      %jit3A_93 = arith.constant 2 : i32
      %div3A_94 = arith.divsi %add3A_92, %jit3A_93 : i32
      %sign3A = arith.constant 0 : i32
      %sign3A_95 = arith.cmpi sgt, %add3A_92, %sign3A : i32
      %sign3A_96 = arith.extui %sign3A_95 : i1 to i32
      %sign3A_97 = arith.constant 0 : i32
      %sign3A_98 = arith.cmpi slt, %add3A_92, %sign3A_97 : i32
      %sign3A_99 = arith.extui %sign3A_98 : i1 to i32
      %sign3A_100 = arith.subi %sign3A_96, %sign3A_99 : i32
      %sign3A_101 = arith.constant 0 : i32
      %sign3A_102 = arith.cmpi sgt, %jit3A_93, %sign3A_101 : i32
      %sign3A_103 = arith.extui %sign3A_102 : i1 to i32
      %sign3A_104 = arith.constant 0 : i32
      %sign3A_105 = arith.cmpi slt, %jit3A_93, %sign3A_104 : i32
      %sign3A_106 = arith.extui %sign3A_105 : i1 to i32
      %sign3A_107 = arith.subi %sign3A_103, %sign3A_106 : i32
      %ne3A = arith.cmpi ne, %sign3A_100, %sign3A_107 : i32
      %rem3A = arith.remsi %add3A_92, %jit3A_93 : i32
      %ne3A_108 = arith.constant 0 : i32
      %ne3A_109 = arith.cmpi ne, %rem3A, %ne3A_108 : i32
      %and3A = arith.andi %ne3A, %ne3A_109 : i1
      %sub3A_110 = arith.constant 1 : i32
      %sub3A_111 = arith.subi %div3A_94, %sub3A_110 : i32
      %select_n3A_112 = arith.select %and3A, %sub3A_111, %div3A_94 : i32
      %ge3A = vector.broadcast %select_n3A_112 : i32 to vector<2048x128xi32>
      %ge3A_113 = arith.cmpi sge, %bitcast_convert_type3A, %ge3A : vector<2048x128xi32>
      %convert_element_type3A_114 = arith.extui %ge3A_113 : vector<2048x128xi1> to vector<2048x128xi32>
      %reduce_sum3A_115 = vector.shape_cast %convert_element_type3A_114 : vector<2048x128xi32> to vector<1x2048x128xi32>
      %reduce_sum3A_116 = arith.constant dense<0> : vector<1xi32>
      %reduce_sum3A_117 = vector.multi_reduction <add>, %reduce_sum3A_115, %reduce_sum3A_116 [1, 2] : vector<1x2048x128xi32> to vector<1xi32>
      %reduce_sum3A_118 = vector.shape_cast %reduce_sum3A_117 : vector<1xi32> to vector<1x1x1xi32>
      %reduce_sum3A_119 = vector.extract %reduce_sum3A_118[0, 0, 0] : i32 from vector<1x1x1xi32>
      %ge3A_120 = arith.cmpi sge, %reduce_sum3A_119, %convert_element_type3A : i32
      %select_n3A_121 = arith.select %ge3A_120, %select_n3A_112, %scan3A_90 : i32
      %select_n3A_122 = arith.select %ge3A_120, %scan3A_91, %select_n3A_112 : i32
      scf.yield %select_n3A_121, %select_n3A_122 : i32, i32
    }
    %bitcast_convert_type3A_57 = arith.bitcast %scan3A_56#0 : i32 to f32
    %gt3A = vector.broadcast %scan3A_56#0 : i32 to vector<2048x128xi32>
    %gt3A_58 = arith.cmpi sgt, %bitcast_convert_type3A, %gt3A : vector<2048x128xi32>
    %convert_element_type3A_59 = arith.extui %gt3A_58 : vector<2048x128xi1> to vector<2048x128xi32>
    %convert_element_type3A_60 = arith.sitofp %convert_element_type3A_59 : vector<2048x128xi32> to vector<2048x128xf32>
    %reduce_sum3A_61 = vector.shape_cast %convert_element_type3A_60 : vector<2048x128xf32> to vector<1x2048x128xf32>
    %reduce_sum3A_62 = arith.constant dense<0.000000e+00> : vector<1xf32>
    %reduce_sum3A_63 = vector.multi_reduction <add>, %reduce_sum3A_61, %reduce_sum3A_62 [1, 2] : vector<1x2048x128xf32> to vector<1xf32>
    %reduce_sum3A_64 = vector.shape_cast %reduce_sum3A_63 : vector<1xf32> to vector<1x1x1xf32>
    %reduce_sum3A_65 = vector.extract %reduce_sum3A_64[0, 0, 0] : f32 from vector<1x1x1xf32>
    %jit3A = arith.constant 0.000000e+00 : f32
    %broadcast_in_dim3A = vector.broadcast %jit3A : f32 to vector<2048x128xf32>
    %select_n3A = arith.select %gt3A_58, %get3A_50, %broadcast_in_dim3A : vector<2048x128xi1>, vector<2048x128xf32>
    %reduce_sum3A_66 = vector.shape_cast %select_n3A : vector<2048x128xf32> to vector<1x2048x128xf32>
    %reduce_sum3A_67 = arith.constant dense<0.000000e+00> : vector<1xf32>
    %reduce_sum3A_68 = vector.multi_reduction <add>, %reduce_sum3A_66, %reduce_sum3A_67 [1, 2] : vector<1x2048x128xf32> to vector<1xf32>
    %reduce_sum3A_69 = vector.shape_cast %reduce_sum3A_68 : vector<1xf32> to vector<1x1x1xf32>
    %reduce_sum3A_70 = vector.extract %reduce_sum3A_69[0, 0, 0] : f32 from vector<1x1x1xf32>
    %sub3A = arith.subf %reduce_sum3A_5, %reduce_sum3A_65 : f32
    %mul3A = arith.mulf %sub3A, %bitcast_convert_type3A_57 : f32
    %add3A = arith.addf %reduce_sum3A_70, %mul3A : f32
    %gt3A_71 = arith.cmpf ogt, %reduce_sum3A_11, %reduce_sum3A_5 : f32
    %select_n3A_72 = arith.select %gt3A_71, %add3A, %reduce_sum3A_23 : f32
    %min3A = arith.minimumf %reduce_sum3A_5, %reduce_sum3A_11 : f32
    %add3A_73 = arith.addf %reduce_sum3A_17, %select_n3A_72 : f32
    %add3A_74 = arith.addf %reduce_sum3A_5, %min3A : f32
    %div3A = arith.divf %add3A_73, %add3A_74 : f32
    %mul3A_75 = arith.constant 4.000000e+00 : f32
    %mul3A_76 = arith.mulf %reduce_sum3A_29, %mul3A_75 : f32
    %div3A_77 = arith.divf %reduce_sum3A_35, %mul3A_76 : f32
    %mul3A_78 = arith.constant 5.000000e-01 : f32
    %mul3A_79 = arith.mulf %div3A_77, %mul3A_78 : f32
    %mul3A_80 = arith.constant 1.000000e+01 : f32
    %mul3A_81 = arith.mulf %reduce_sum3A_41, %mul3A_80 : f32
    %div3A_82 = arith.divf %reduce_sum3A_47, %mul3A_81 : f32
    %mul3A_83 = arith.constant 5.000000e-01 : f32
    %mul3A_84 = arith.mulf %div3A_82, %mul3A_83 : f32
    %add3A_85 = arith.addf %div3A, %mul3A_79 : f32
    %add3A_86 = arith.addf %add3A_85, %mul3A_84 : f32
    %swap3A = arith.constant 0 : index
    %swap3A_87 = arith.constant 0 : index
    %swap3A_88 = memref.load %arg2[%swap3A, %swap3A_87] : memref<1x1xf32, #tpu.memory_space<smem>>
    memref.store %add3A_86, %arg2[%swap3A, %swap3A_87] : memref<1x1xf32, #tpu.memory_space<smem>>
    return
  }
}

</mosaic_0001>

<sc_bundles>
// kernel: _run.4.cloned.1.call-start
scs
__scs_entry_jumppad:
0x0: {  	(pc) =	sbr.rel $0x88, $3  }
0x1: {  	(tag) =	ssettag $0x0;
	lr =	simm.s32 $0x1  }
0x2: {  	[smem:$0x3F9B] =	sst lr;
	_ =	strace $0xD0000000  }
0x3: {  	_ = 	snop  }
0x4: {  	_ = 	snop  }
0x5: {  	_ = 	snop  }
0x6: {  	_ = 	snop  }
0x7: {  	_ = 	snop  }
__scs_overlays_trampoline_lowered:
0x8: {  	[smem:$0x3FAA] =	sst s0  }
0x9: {  	[smem:$0x3FAB] =	sst s1  }
0xa: {  	[smem:$0x3FAC] =	sst s2  }
0xb: {  	[smem:$0x3FAD] =	sst s3  }
0xc: {  	[smem:$0x3FAE] =	sst s4  }
0xd: {  	[smem:$0x3FAF] =	sst s5  }
0xe: {  	[smem:$0x3FB0] =	sst s6  }
0xf: {  	[smem:$0x3FB1] =	sst s7  }
0x10: {  	[smem:$0x3FB2] =	sst s8  }
0x11: {  	[smem:$0x3FB3] =	sst s9;
	s0 =	simm.s32 @!p0 $0x0  }
0x12: {  	s1 =	sld [smem:$0x3F99];
	s0 =	simm.s32 @p0 $0x1  }
0x13: {  	[smem:$0x3FB4] =	sst s0;
	s0 =	simm.s32 @!p1 $0x0  }
0x14: {  	s2 =	sld [smem:$0x3F98];
	s0 =	simm.s32 @p1 $0x1  }
0x15: {  	[smem:$0x3FB5] =	sst s0;
	s0 =	simm.s32 @!p2 $0x0  }
0x16: {  	s3 =	sld [smem:$0x3FDB];
	s0 =	simm.s32 @p2 $0x1  }
0x17: {  	s4 =	simm.s32 $0x1BF5;
	[smem:$0x3FB7] =	sst s0  }
0x18: {  	s0 =	sld [smem:$0x3F9A];
	_ =	swait.ge [sflag:s4], $0x0  }
0x19: {  	s7 =	sld [smem:$0x3F9B]  }
0x1a: {  	s8 =	sadd.s32 $0xFFFFE003, lr  }
0x1b: {  	s9 =	sadd.s32 $0xFFFFFEF7, lr;
	s5 =	simm.s32 $0xFFFFFFFF;
	p2 =	slt.u32 s8, $0xFFFFF086  }
0x1c: {  	p1 =	slt.u32 s9, $0xF7A;
	s5 =	simm.s32 @!p2 $0x0  }
0x1d: {  	s5 =	simm.s32 @p1 $0x1;
	p0 =	seq.s32 s7, s2  }
0x1e: {  	s7 =	smul.u32 @!p0 $0xF7A, s2;
	p2 =	seq.s32 @!p0 s5, $0x0  }
0x1f: {  	s9 =	smul.u32 $0xF7A, s1;
	s8 =	simm.s32 @!p0 $0x1BF5;
	p2 =	por !p2, p0  }
0x20: {  	[sflag:s8] =	ssyncset.s32 @!p0 $0xFFFFF086;
	s6 =	sadd.s32 @!p0 s3, s7;
	s7 =	simm.s32 @!p0 $0x108  }
0x21: {  	s3 =	sadd.s32 s3, s9;
	s6 =	sadd.s32 @!p0 $0x88, s6;
	s7 =	simm.s32 @p2 $0x1082  }
0x22: {  	[simem:s7], [sflag:s8] =	dma.local @!p0 [hbm:s6], $0xF7A  }
0x23: {  	s9 =	sor.u32 $0xD0000000, s2;
	s6 =	simm.s32 $0x108;
	_ =	swait.ge @!p0 [sflag:s8], $0x0  }
0x24: {  	s3 =	sadd.s32 $0x88, s3;
	s6 =	simm.s32 @!p1 $0x1082;
	[sflag:s4] =	ssyncset.s32 $0xFFFFF086  }
0x25: {  	[simem:s6], [sflag:s4] =	dma.local [hbm:s3], $0xF7A  }
0x26: {  	[smem:$0x3F9B] =	sst s1;
	(tag) =	ssettag s2;
	_ =	strace s9  }
0x27: {  	s1 =	sld [smem:$0x3FAB]  }
0x28: {  	s2 =	sld [smem:$0x3FAC]  }
0x29: {  	s4 =	sld [smem:$0x3FAE]  }
0x2a: {  	p0 =	seq.s32 s5, $0x0;
	s5 =	sld [smem:$0x3FAF]  }
0x2b: {  	s6 =	sld [smem:$0x3FB0]  }
0x2c: {  	s7 =	sld [smem:$0x3FB1]  }
0x2d: {  	s3 =	simm.s32 $0x108;
	s8 =	sld [smem:$0x3FB2]  }
0x2e: {  	s3 =	simm.s32 @!p0 $0x1082;
	s9 =	sld [smem:$0x3FB3]  }
0x2f: {  	lr =	sadd.s32 s0, s3;
	s0 =	sld [smem:$0x3FAA]  }
0x30: {  	s3 =	sld [smem:$0x3FAD]  }
0x31: {  	[smem:$0x3FB6] =	sst s10  }
0x32: {  	s10 =	sld [smem:$0x3FB4];
	_ =	sdelay $0x3  }
0x33: {  	p0 =	seq.s32 s10, $0x1;
	s10 =	sld [smem:$0x3FB6];
	_ =	sdelay $0x3  }
0x34: {  	[smem:$0x3FB6] =	sst s10  }
0x35: {  	s10 =	sld [smem:$0x3FB5];
	_ =	sdelay $0x3  }
0x36: {  	p1 =	seq.s32 s10, $0x1;
	s10 =	sld [smem:$0x3FB6];
	_ =	sdelay $0x3  }
0x37: {  	[smem:$0x3FB6] =	sst s10  }
0x38: {  	s10 =	sld [smem:$0x3FB7]  }
0x39: {  	_ = 	snop;
	(pc) =	sbr.ind lr, $3  }
0x3a: {  	_ = 	snop  }
0x3b: {  	_ = 	snop  }
0x3c: {  	p2 =	seq.s32 s10, $0x1;
	s10 =	sld [smem:$0x3FB6]  }
0x3d: {  	_ =	shalt  }
0x3e: {  	_ =	shalt  }
0x3f: {  	_ =	shalt  }
0x40: {  	_ =	shalt  }
0x41: {  	_ =	shalt  }
0x42: {  	_ =	shalt  }
0x43: {  	_ =	shalt  }
0x44: {  	_ =	shalt  }
0x45: {  	_ =	shalt  }
0x46: {  	_ =	shalt  }
0x47: {  	_ =	shalt  }
0x48: {  	_ =	shalt  }
0x49: {  	_ =	shalt  }
0x4a: {  	_ =	shalt  }
0x4b: {  	_ =	shalt  }
0x4c: {  	_ =	shalt  }
0x4d: {  	_ =	shalt  }
0x4e: {  	_ =	shalt  }
0x4f: {  	_ =	shalt  }
0x50: {  	_ =	shalt  }
0x51: {  	_ =	shalt  }
0x52: {  	_ =	shalt  }
0x53: {  	_ =	shalt  }
0x54: {  	_ =	shalt  }
0x55: {  	_ =	shalt  }
0x56: {  	_ =	shalt  }
0x57: {  	_ =	shalt  }
0x58: {  	_ =	shalt  }
0x59: {  	_ =	shalt  }
0x5a: {  	_ =	shalt  }
0x5b: {  	_ =	shalt  }
0x5c: {  	_ =	shalt  }
0x5d: {  	_ =	shalt  }
0x5e: {  	_ =	shalt  }
0x5f: {  	_ =	shalt  }
0x60: {  	_ =	shalt  }
0x61: {  	_ =	shalt  }
0x62: {  	_ =	shalt  }
0x63: {  	_ =	shalt  }
0x64: {  	_ =	shalt  }
0x65: {  	_ =	shalt  }
0x66: {  	_ =	shalt  }
0x67: {  	_ =	shalt  }
0x68: {  	_ =	shalt  }
0x69: {  	_ =	shalt  }
0x6a: {  	_ =	shalt  }
0x6b: {  	_ =	shalt  }
0x6c: {  	_ =	shalt  }
0x6d: {  	_ =	shalt  }
0x6e: {  	_ =	shalt  }
0x6f: {  	_ =	shalt  }
0x70: {  	_ =	shalt  }
0x71: {  	_ =	shalt  }
0x72: {  	_ =	shalt  }
0x73: {  	_ =	shalt  }
0x74: {  	_ =	shalt  }
0x75: {  	_ =	shalt  }
0x76: {  	_ =	shalt  }
0x77: {  	_ =	shalt  }
0x78: {  	_ =	shalt  }
0x79: {  	_ =	shalt  }
0x7a: {  	_ =	shalt  }
0x7b: {  	_ =	shalt  }
0x7c: {  	_ =	shalt  }
0x7d: {  	_ =	shalt  }
0x7e: {  	_ =	shalt  }
0x7f: {  	_ =	shalt  }
0x80: {  	_ =	shalt  }
0x81: {  	_ =	shalt  }
0x82: {  	_ =	shalt  }
0x83: {  	_ =	shalt  }
0x84: {  	_ =	shalt  }
0x85: {  	_ =	shalt  }
0x86: {  	_ =	shalt  }
0x87: {  	_ =	shalt  }
.Lfunc_end0:
.L_simem_size_0:
called_computation_lowered:
.L_overlay_start_0:
0x88: {  	s2 =	sld [smem:$0x3FD9]  }
0x89: {  	s3 =	sld [smem:$0x3FFE];
	_ =	sdelay $0x1  }
0x8a: {  	s1 =	srdreg.scid  }
0x8b: {  	s0 =	sand.u32 $0x1, s1  }
0x8c: {  	s17 =	sshll.u32 s0, $0xA;
	s2 =	sadd.s32 s3, s2  }
0x8d: {  	s2 =	sadd.s32 s2, s17  }
0x8e: {  	[smem:$0x3FC2] =	sst s2  }
0x8f: {  	_ = 	snop  }
0x90: {  	s2 =	sld [smem:$0x3FC6];
	(tm) =	ssettm $0x1  }
0x91: {  	s18 =	sld [smem:$0x3FFB];
	_ =	sdelay $0x3  }
0x92: {  	_ =	strace s18  }
0x93: {  	s3 =	sld [smem:$0x3FFC];
	_ =	sdelay $0x3  }
0x94: {  	_ =	strace s3  }
0x95: {  	s3 =	sld [smem:$0x3FFD];
	_ =	sdelay $0x3  }
0x96: {  	_ =	strace s3  }
0x97: {  	_ =	strace $0x8FFFFFFF  }
0x98: {  	s19 =	sld [smem:$0x3FDB];
	_ =	sdelay $0x1  }
0x99: {  	s4 =	simm.s32 $_scs_section_size  }
0x9a: {  	s5 =	simm.s32 $_size__tile_overlayer_lowered;
	s6 =	simm.s32 $_tile_overlayer_lowered  }
0x9b: {  	s22 =	simm.s32 $0x1BFF;
	s21 =	sshll.u32 s6, $0x1;
	s3 =	sadd.s32 s4, s19  }
0x9c: {  	s7 =	simm.s32 $0x0;
	s20 =	sshll.u32 s5, $0x1;
	s5 =	sadd.s32 s21, s3  }
0x9d: {  	[timem:s7], [sflag:s22] =	dma.local [hbm:s5], s20  }
0x9e: {  	_ =	swait.ge [sflag:s22], s20  }
0x9f: {  	s4 =	ssub.s32 $0x0, s20;
	[sflag:s22] =	ssyncset.done $0x0  }
0xa0: {  	[sflag:s22] =	ssyncadd.s32 s4;
	_ =	sdelay $0x1  }
0xa1: {  	s23 =	simm.s32 $0x1B8B  }
0xa2: {  	_ =	swait.ge [sflag:s23], $0x1  }
0xa3: {  	[sflag:s23] =	ssyncset.done $0x0  }
0xa4: {  	s25 =	simm.s32 $0x1B8E;
	s24 =	sld [smem:$0x3FFE];
	[sflag:s23] =	ssyncadd.s32 $0xFFFFFFFF  }
0xa5: {  	s26 =	simm.s32 $execute0_lowered;
	[smem:$0x3FD2] =	sst s25  }
0xa6: {  	s5 =	sshll.u32 s26, $0x1;
	_ =	strace $0x80000046;
	[dreg:$0x1] =	wrdreg $0xFFFFFFFF  }
0xa7: {  	s28 =	simm.s32 $_size_execute0_lowered;
	s3 =	sadd.s32 s3, s5;
	[dreg:$0x0] =	wrdreg $0x0  }
0xa8: {  	s5 =	sshll.u32 s28, $0x1;
	[dreg:$0x2] =	wrdreg s3  }
0xa9: {  	[dreg:$0x3] =	wrdreg s5  }
0xaa: {  	[dreg:$0x4] =	wrdreg $0xC0  }
0xab: {  	_ =	task [dreg:s7], $0x5FFFF  }
0xac: {  	[dreg:$0x1] =	wrdreg $0xFFFFFFFF  }
0xad: {  	[dreg:$0x0] =	wrdreg $0x60  }
0xae: {  	[dreg:$0x2] =	wrdreg s24  }
0xaf: {  	[dreg:$0x3] =	wrdreg s2  }
0xb0: {  	[dreg:$0x4] =	wrdreg $0x9  }
0xb1: {  	_ =	task.clear_ibuf [dreg:s7], $0x5FFFF;
	_ =	strace $0x90000046  }
0xb2: {  	s29 =	simm.s32 $0x9;
	_ =	strace $0x80000048  }
0xb3: {  	_ =	swait.ge [sflag:s29], $0x1  }
0xb4: {  	[sflag:s29] =	ssyncadd.s32 $0xFFFFFFFF  }
0xb5: {  	_ =	strace $0x90000048  }
0xb6: {  	_ =	sfence  }
0xb7: {  	s30 =	sld [smem:$0x0];
	_ =	sdelay $0x2  }
0xb8: {  	s31 =	sshll.u32 s1, $0xD;
	s1 =	sshrl.u32 s1, $0x2  }
0xb9: {  	s3 =	sand.u32 $0x4000, s31;
	s1 =	sadd.s32 s1, s30  }
0xba: {  	s0 =	sor.u32 s3, s0;
	s1 =	sshll.u32 s1, $0x11  }
0xbb: {  	s0 =	sor.u32 s1, s0  }
0xbc: {  	s0 =	sadd.s32 $0x8F2B, s0  }
0xbd: {  	[sflag:s0] =	ssyncadd.remote.s32 $0x1  }
0xbe: {  	_ =	sfence.sel $0xFFFF  }
0xbf: {  	[dreg:$0x0] =	wrdreg $0xFFFFFFFF;
	(pc) =	sbr.abs _section_cstart, $3  }
0xc0: {  	[dreg:$0x1] =	wrdreg $0xFFFFFFFF  }
0xc1: {  	_ =	task.clear_ibuf [dreg:s7], $0x2FFFF;
	_ =	strace $0x9FFFFFFF  }
0xc2: {  	(tm) =	ssettm $0x7FFFFFFF  }
0xc3: {  	_ =	shalt  }
tec
execute0_lowered:
.L_overlay_start_1:
0x0: {  	(tag) =	ssettag $0x1  }
0x1: {  	s10 =	rddreg [dreg:$0x0]  }
0x2: {  	s1 =	rddreg [dreg:$0x1]  }
0x3: {  	s0 =	rddreg [dreg:$0x2];
	s2 =	simm.s32 $0x0;
	s8 =	srdreg.scid  }
0x4: {  	s3 =	stileid.u32;
	s15 =	simm.s32 $0x8080;
	s16 =	simm.s32 $0xC080  }
0x5: {  	s17 =	simm.s32 $0x10080;
	s18 =	simm.s32 $0x1;
	s19 =	simm.s32 $0x14080  }
0x6: {  	s20 =	simm.s32 $0x2;
	s21 =	simm.s32 $0x14100;
	s22 =	simm.s32 $0x0  }
0x7: {  	[smem:$0x7FF] =	sst s2;
	s4 =	sadd.s32 $0x2E00, s10;
	s5 =	sadd.s32 $0x402E00, s10  }
0x8: {  	s6 =	sadd.s32 $0x802E00, s10;
	s9 =	sand.u32 $0x1, s8;
	s11 =	sshll.u32 s3, $0x1  }
0x9: {  	s7 =	sadd.s32 $0xC02E00, s10;
	s8 =	sadd.s32 $0x1002E00, s10;
	s11 =	sor.u32 s9, s11  }
0xa: {  	_ =	strace $0x80000047;
	s12 =	ssub.s32 $0x2, s9;
	s13 =	sshll.u32 s11, $0x4  }
0xb: {  	s9 =	sadd.s32 $0x1402E00, s10;
	s14 =	sshrl.u32 s12, $0x1;
	s13 =	sadd.s32 s13, s10  }
0xc: {  	v0 =	vlaneseq.u32;
	v2 =	vimm.f32 $0.0e+00;
	s12 =	ssub.s32 s12, s14;
	s10 =	sshll.u32 s11, $0xD;
	s14 =	simm.s32 $0x4080  }
0xd: {  	v4 =	vimm.s32 $0x0;
	v1 =	vmul.u32 $0x80, v0;
	v3 =	vand.u32 $0x3, v0;
	s11 =	sadd.s32 $0x140AE00, s13;
	s12 =	smax.u32 s12, $0x1;
	s13 =	simm.s32 $0x80  }
.LBB2_1:
0xe: {  	v5 =	vimm.f32 $0.0e+00;
	v6 =	vimm.f32 $0.0e+00  }
0xf: {  	v10 =	vimm.f32 $0.0e+00;
	v8 =	vimm.f32 $0.0e+00;
	v7 =	vimm.f32 $0.0e+00  }
0x10: {  	v9 =	vimm.f32 $0.0e+00;
	v11 =	vimm.f32 $0.0e+00;
	v12 =	vimm.f32 $0.0e+00;
	s23 =	simm.s32 $0x0  }
.LBB2_2:
0x11: {  	s24 =	sshll.u32 s23, $0x7  }
0x12: {  	s25 =	sadd.s32 s10, s24  }
0x13: {  	s24 =	sshrl.u32 s25, $0x3  }
0x14: {  	s25 =	sshll.u32 s25, $0x4;
	s26 =	sadd.s32 s1, s24  }
0x15: {  	[tilespmem:s2], [sflag:$0x1] =	stream.linear.gather [hbm4b:s26+s2], $0x80, $0x38;
	[tilespmem:$0x14180] =	vst v63  }
0x16: {  	s31 =	sadd.s32 s4, s25  }
0x17: {  	[tilespmem:s13], [sflag:$0x1] =	stream.linear.gather [hbm4b:s31+s2], $0x4000, $0x38;
	[tilespmem:$0x14180] =	vst v63  }
0x18: {  	s30 =	sadd.s32 s5, s25  }
0x19: {  	[tilespmem:s14], [sflag:$0x1] =	stream.linear.gather [hbm4b:s30+s2], $0x4000, $0x38;
	[tilespmem:$0x14180] =	vst v63  }
0x1a: {  	s31 =	sadd.s32 s7, s25  }
0x1b: {  	[tilespmem:s15], [sflag:$0x1] =	stream.linear.gather [hbm4b:s31+s2], $0x4000, $0x38;
	[tilespmem:$0x14180] =	vst v63  }
0x1c: {  	s30 =	sadd.s32 s6, s25  }
0x1d: {  	[tilespmem:s16], [sflag:$0x1] =	stream.linear.gather [hbm4b:s30+s2], $0x4000, $0x38;
	[tilespmem:$0x14180] =	vst v63  }
0x1e: {  	s25 =	sadd.s32 s8, s25  }
0x1f: {  	[tilespmem:s17], [sflag:$0x1] =	stream.linear.gather [hbm4b:s25+s2], $0x4000, $0x38;
	[tilespmem:$0x14180] =	vst v63  }
0x20: {  	_ =	swait.ge [sflag:s18], $0x80  }
0x21: {  	[sflag:s18] =	ssyncset.done $0x0  }
0x22: {  	[sflag:s18] =	ssyncadd.s32 $0xFFFFFF80  }
0x23: {  	_ =	swait.ge [sflag:s18], $0x4000  }
0x24: {  	[sflag:s18] =	ssyncset.done $0x0  }
0x25: {  	[sflag:s18] =	ssyncadd.s32 $0xFFFFC000  }
0x26: {  	_ =	swait.ge [sflag:s18], $0x4000  }
0x27: {  	[sflag:s18] =	ssyncset.done $0x0  }
0x28: {  	[sflag:s18] =	ssyncadd.s32 $0xFFFFC000  }
0x29: {  	_ =	swait.ge [sflag:s18], $0x4000  }
0x2a: {  	s31 =	simm.s32 $0x0;
	[sflag:s18] =	ssyncset.done $0x0  }
0x2b: {  	v13 =	vmov s31;
	[sflag:s18] =	ssyncadd.s32 $0xFFFFC000  }
0x2c: {  	v13 =	vshll.u32 v13, $0x7;
	_ =	swait.ge [sflag:s18], $0x4000  }
0x2d: {  	v13 =	vor.u32 v1, v13;
	[sflag:s18] =	ssyncset.done $0x0  }
0x2e: {  	[sflag:s18] =	ssyncadd.s32 $0xFFFFC000  }
0x2f: {  	_ =	swait.ge [sflag:s18], $0x4000  }
0x30: {  	[sflag:s18] =	ssyncset.done $0x0  }
0x31: {  	[sflag:s18] =	ssyncadd.s32 $0xFFFFC000  }
0x32: {  	v13 =	vld.idx.msk [tilespmem:v13+s13+$0x0], $0xffff;
	_ =	sdelay $0x4  }
0x33: {  	v14 =	vsub.f32 $1.000000000e+00, v13  }
0x34: {  	v15 =	vand.u32 $0x7FFFFF, v13  }
0x35: {  	v15 =	vor.u32 $0x3F800000, v15;
	v16 =	vand.u32 $0x7FFFFF, v14  }
0x36: {  	v17 =	vadd.f32 $1.000000000e+00, v15;
	v16 =	vor.u32 $0x3F800000, v16  }
0x37: {  	v18 =	vadd.f32 $1.000000000e+00, v16  }
0x38: {  	(erf) = vrcp.f32 v17  }
0x39: {  	(erf) = vrcp.f32 v18;
	_ =	sdelay $0x7  }
0x3a: {  	v16 =	vadd.f32 $-1.000000000e+00, v16;
	v17 =	vpop (erf)  }
0x3b: {  	v18 =	vpop (erf)  }
0x3c: {  	v16 =	vmul.f32 v18, v16;
	_ =	sdelay $0x1  }
0x3d: {  	v18 =	vmul.f32 v16, v16;
	_ =	sdelay $0x1  }
0x3e: {  	v19 =	vmul.f32 $1.428571490e-01, v18;
	_ =	sdelay $0x1  }
0x3f: {  	v19 =	vadd.f32 $2.000000030e-01, v19;
	_ =	sdelay $0x1  }
0x40: {  	v19 =	vmul.f32 v19, v18;
	_ =	sdelay $0x1  }
0x41: {  	v19 =	vadd.f32 $3.333333430e-01, v19;
	_ =	sdelay $0x1  }
0x42: {  	v14 =	vshra.s32 v14, $0x17;
	v18 =	vmul.f32 v19, v18  }
0x43: {  	v14 =	vadd.s32 $0xFFFFFF81, v14  }
0x44: {  	v14 =	vcvt.s32.f32 v14;
	v16 =	vadd.f32 v16, v16;
	v18 =	vadd.f32 $1.000000000e+00, v18;
	_ =	sdelay $0x1  }
0x45: {  	s26 =	simm.s32 $0x10;
	v14 =	vmul.f32 $6.931471820e-01, v14;
	v16 =	vmul.f32 v18, v16  }
0x46: {  	v18 =	vld [tilespmem:s26+$0xFFFFFFF0]  }
0x47: {  	v14 =	vadd.f32 v16, v14;
	v16 =	vmov s26  }
0x48: {  	v16 =	vshll.u32 v16, $0x7  }
0x49: {  	v14 =	vmax.f32 v14, $-1.000000000e+02;
	v16 =	vor.u32 v1, v16  }
0x4a: {  	v14 =	vsub.f32 $0.0e+00, v14  }
0x4b: {  	vm0 =	veq.s32 v18, $0x0  }
0x4c: {  	s25 =	simm.s32 $0x14090;
	v19 =	vnsel vm0, $0xBF800000, v14  }
0x4d: {  	[tilespmem:s25+$0xFFFFFFF0] =	vst v19  }
0x4e: {  	v16 =	vld.idx.msk [tilespmem:v16+s13+$0x0], $0xffff;
	_ =	sdelay $0x4  }
0x4f: {  	v19 =	vsub.f32 $1.000000000e+00, v16;
	v20 =	vand.u32 $0x7FFFFF, v16  }
0x50: {  	v20 =	vor.u32 $0x3F800000, v20  }
0x51: {  	v21 =	vand.u32 $0x7FFFFF, v19;
	v22 =	vadd.f32 $1.000000000e+00, v20  }
0x52: {  	v15 =	vadd.f32 $-1.000000000e+00, v15;
	v21 =	vor.u32 $0x3F800000, v21  }
0x53: {  	v23 =	vadd.f32 $1.000000000e+00, v21;
	(erf) = vrcp.f32 v22  }
0x54: {  	v15 =	vmul.f32 v17, v15  }
0x55: {  	(erf) = vrcp.f32 v23  }
0x56: {  	v17 =	vmul.f32 v15, v15;
	_ =	sdelay $0x1  }
0x57: {  	v54 =	vmul.f32 $1.428571490e-01, v17;
	_ =	sdelay $0x1  }
0x58: {  	v22 =	vadd.f32 $2.000000030e-01, v54  }
0x59: {  	v20 =	vadd.f32 $-1.000000000e+00, v20  }
0x5a: {  	v13 =	vshra.s32 v13, $0x17;
	v22 =	vmul.f32 v22, v17;
	v55 =	vpop (erf)  }
0x5b: {  	v13 =	vadd.s32 $0xFFFFFF81, v13;
	v21 =	vadd.f32 $-1.000000000e+00, v21;
	v20 =	vmul.f32 v55, v20  }
0x5c: {  	v13 =	vcvt.s32.f32 v13;
	v22 =	vadd.f32 $3.333333430e-01, v22;
	v56 =	vpop (erf)  }
0x5d: {  	v21 =	vmul.f32 v56, v21;
	v57 =	vmul.f32 v20, v20  }
0x5e: {  	v13 =	vmul.f32 $6.931471820e-01, v13;
	v17 =	vmul.f32 v22, v17  }
0x5f: {  	v58 =	vmul.f32 v21, v21;
	v24 =	vmul.f32 $1.428571490e-01, v57  }
0x60: {  	v15 =	vadd.f32 v15, v15;
	vm1 =	veq.s32 v18, $0xFFFFFFFF;
	vm2 =	veq.s32 v18, $0x1  }
0x61: {  	v17 =	vadd.f32 $1.000000000e+00, v17;
	v25 =	vmul.f32 $1.428571490e-01, v58;
	v24 =	vadd.f32 $2.000000030e-01, v24  }
0x62: {  	v18 =	vadd.s32 $0xFFFFFFFF, v18;
	v59 =	vsel vm1, $0x3F800000, v2;
	v61 =	vsel vm2, $0x3F800000, v2  }
0x63: {  	v15 =	vmul.f32 v17, v15;
	v17 =	vadd.f32 $2.000000030e-01, v25;
	v24 =	vmul.f32 v24, v57  }
0x64: {  	vm1 =	vlt.u32 v18, $0x2;
	v12 =	vadd.f32 v61, v12;
	v16 =	vshra.s32 v16, $0x17  }
0x65: {  	v13 =	vadd.f32 v15, v13;
	v15 =	vmul.f32 v17, v58;
	v17 =	vadd.f32 $3.333333430e-01, v24  }
0x66: {  	v62 =	vsel vm1, $0x3F800000, v2;
	v14 =	vnsel vm0, $0x0, v14;
	v16 =	vadd.s32 $0xFFFFFF81, v16  }
0x67: {  	v18 =	vshra.s32 v19, $0x17;
	v15 =	vadd.f32 $3.333333430e-01, v15;
	v17 =	vmul.f32 v17, v57  }
0x68: {  	v16 =	vcvt.s32.f32 v16;
	v18 =	vadd.s32 $0xFFFFFF81, v18;
	v19 =	vadd.f32 v20, v20  }
0x69: {  	v13 =	vmax.f32 v13, $-1.000000000e+02;
	v15 =	vmul.f32 v15, v58;
	v17 =	vadd.f32 $1.000000000e+00, v17  }
0x6a: {  	v16 =	vmul.f32 $6.931471820e-01, v16;
	v18 =	vcvt.s32.f32 v18;
	v13 =	vsub.f32 $0.0e+00, v13  }
0x6b: {  	v63 =	vld [tilespmem:s26+$0x0];
	v17 =	vmul.f32 v17, v19;
	v19 =	vadd.f32 v21, v21;
	v15 =	vadd.f32 $1.000000000e+00, v15  }
0x6c: {  	v8 =	vadd.f32 v62, v8;
	v7 =	vadd.f32 v14, v7;
	v13 =	vnsel vm2, $0x0, v13  }
0x6d: {  	v16 =	vadd.f32 v17, v16;
	v15 =	vmul.f32 v15, v19;
	v17 =	vmul.f32 $6.931471820e-01, v18  }
0x6e: {  	s28 =	simm.s32 $0x20;
	v60 =	vsel vm0, $0x3F800000, v2;
	v9 =	vadd.f32 v13, v9;
	v13 =	vadd.f32 v59, v10  }
0x6f: {  	v10 =	vadd.f32 v60, v11;
	v11 =	vmov s28;
	v15 =	vadd.f32 v15, v17  }
0x70: {  	vm0 =	veq.s32 v63, $0x1;
	v11 =	vshll.u32 v11, $0x7;
	v16 =	vmax.f32 v16, $-1.000000000e+02  }
0x71: {  	v14 =	vsub.f32 $0.0e+00, v16;
	v16 =	vor.u32 v1, v11;
	v11 =	vmax.f32 v15, $-1.000000000e+02  }
0x72: {  	vm3 =	veq.s32 v63, $0xFFFFFFFF;
	v15 =	vadd.s32 $0xFFFFFFFF, v63;
	v17 =	vsub.f32 $0.0e+00, v11  }
0x73: {  	vm1 =	veq.s32 v63, $0x0;
	vm2 =	vlt.u32 v15, $0x2;
	v11 =	vsel vm3, $0x3F800000, v2  }
0x74: {  	s29 =	simm.s32 $0x2;
	s28 =	simm.s32 $0x30;
	v15 =	vnsel vm0, $0x0, v14;
	v14 =	vnsel vm1, $0x0, v17;
	v17 =	vnsel vm1, $0xBF800000, v17  }
.LBB2_3:
0x75: {  	s29 =	sadd.s32 $0x2, s29;
	v9 =	vadd.f32 v15, v9;
	v7 =	vadd.f32 v14, v7;
	v14 =	vsel vm2, $0x3F800000, v2;
	[tilespmem:s25+$0x0] =	vst v17;
	s26 =	sadd.s32 $0x20, s26;
	s25 =	sadd.s32 $0x20, s25  }
0x76: {  	v11 =	vadd.f32 v11, v13;
	p0 =	slt.u32 s29, $0x6;
	v15 =	vld.idx.msk [tilespmem:v16+s13+$0x0], $0xffff;
	v16 =	vsel vm1, $0x3F800000, v2;
	v8 =	vadd.f32 v14, v8  }
0x77: {  	v13 =	vsel vm0, $0x3F800000, v2;
	v10 =	vadd.f32 v16, v10  }
0x78: {  	v12 =	vadd.f32 v13, v12;
	_ =	sdelay $0x3  }
0x79: {  	v13 =	vshra.s32 v15, $0x17;
	v14 =	vand.u32 $0x7FFFFF, v15;
	v15 =	vsub.f32 $1.000000000e+00, v15  }
0x7a: {  	v14 =	vor.u32 $0x3F800000, v14  }
0x7b: {  	v16 =	vadd.f32 $1.000000000e+00, v14;
	v17 =	vshra.s32 v15, $0x17;
	v15 =	vand.u32 $0x7FFFFF, v15  }
0x7c: {  	v17 =	vadd.s32 $0xFFFFFF81, v17;
	v15 =	vor.u32 $0x3F800000, v15  }
0x7d: {  	v17 =	vcvt.s32.f32 v17;
	v18 =	vadd.f32 $1.000000000e+00, v15;
	(erf) = vrcp.f32 v16;
	_ =	sdelay $0x1  }
0x7e: {  	(erf) = vrcp.f32 v18;
	_ =	sdelay $0x5  }
0x7f: {  	v14 =	vadd.f32 $-1.000000000e+00, v14  }
0x80: {  	v16 =	vpop (erf)  }
0x81: {  	v15 =	vadd.f32 $-1.000000000e+00, v15;
	v14 =	vmul.f32 v16, v14  }
0x82: {  	v16 =	vpop (erf)  }
0x83: {  	v18 =	vmul.f32 v14, v14;
	v15 =	vmul.f32 v16, v15;
	_ =	sdelay $0x1  }
0x84: {  	v16 =	vmul.f32 $1.428571490e-01, v18;
	v19 =	vmul.f32 v15, v15;
	_ =	sdelay $0x1  }
0x85: {  	v16 =	vadd.f32 $2.000000030e-01, v16;
	v20 =	vmul.f32 $1.428571490e-01, v19;
	_ =	sdelay $0x1  }
0x86: {  	v16 =	vmul.f32 v16, v18;
	v20 =	vadd.f32 $2.000000030e-01, v20;
	_ =	sdelay $0x1  }
0x87: {  	v16 =	vadd.f32 $3.333333430e-01, v16;
	v20 =	vmul.f32 v20, v19;
	_ =	sdelay $0x1  }
0x88: {  	v13 =	vadd.s32 $0xFFFFFF81, v13;
	v16 =	vmul.f32 v16, v18;
	v18 =	vadd.f32 $3.333333430e-01, v20  }
0x89: {  	v13 =	vcvt.s32.f32 v13  }
0x8a: {  	v14 =	vadd.f32 v14, v14;
	v16 =	vadd.f32 $1.000000000e+00, v16;
	v18 =	vmul.f32 v18, v19  }
0x8b: {  	v13 =	vmul.f32 $6.931471820e-01, v13  }
0x8c: {  	v15 =	vadd.f32 v15, v15;
	v14 =	vmul.f32 v16, v14;
	v16 =	vadd.f32 $1.000000000e+00, v18;
	_ =	sdelay $0x1  }
0x8d: {  	v13 =	vadd.f32 v14, v13;
	v14 =	vmul.f32 v16, v15;
	v15 =	vmul.f32 $6.931471820e-01, v17  }
0x8e: {  	v16 =	vld [tilespmem:s26+$0xFFFFFFF0]  }
0x8f: {  	v14 =	vadd.f32 v14, v15;
	v13 =	vmax.f32 v13, $-1.000000000e+02;
	v15 =	vmov s28  }
0x90: {  	v15 =	vshll.u32 v15, $0x7  }
0x91: {  	v14 =	vmax.f32 v14, $-1.000000000e+02;
	v15 =	vor.u32 v1, v15  }
0x92: {  	v13 =	vsub.f32 $0.0e+00, v13;
	v14 =	vsub.f32 $0.0e+00, v14  }
0x93: {  	vm0 =	veq.s32 v16, $0x1;
	vm1 =	veq.s32 v16, $0x0;
	vm2 =	veq.s32 v16, $0xFFFFFFFF  }
0x94: {  	v17 =	vnsel vm1, $0x0, v14;
	v18 =	vsel vm2, $0x3F800000, v2;
	v14 =	vnsel vm1, $0xBF800000, v14  }
0x95: {  	v16 =	vadd.s32 $0xFFFFFFFF, v16;
	v19 =	vsel vm1, $0x3F800000, v2;
	v13 =	vnsel vm0, $0x0, v13;
	[tilespmem:s25+$0xFFFFFFF0] =	vst v14  }
0x96: {  	v14 =	vsel vm0, $0x3F800000, v2;
	vm0 =	vlt.u32 v16, $0x2;
	v15 =	vld.idx.msk [tilespmem:v15+s13+$0x0], $0xffff  }
0x97: {  	v12 =	vadd.f32 v14, v12;
	_ =	sdelay $0x4  }
0x98: {  	v14 =	vshra.s32 v15, $0x17;
	v16 =	vand.u32 $0x7FFFFF, v15;
	v15 =	vsub.f32 $1.000000000e+00, v15  }
0x99: {  	v14 =	vadd.s32 $0xFFFFFF81, v14;
	v16 =	vor.u32 $0x3F800000, v16  }
0x9a: {  	v14 =	vcvt.s32.f32 v14;
	v20 =	vadd.f32 $1.000000000e+00, v16;
	v21 =	vand.u32 $0x7FFFFF, v15  }
0x9b: {  	v15 =	vshra.s32 v15, $0x17;
	v21 =	vor.u32 $0x3F800000, v21  }
0x9c: {  	v15 =	vadd.s32 $0xFFFFFF81, v15;
	v22 =	vadd.f32 $1.000000000e+00, v21;
	(erf) = vrcp.f32 v20;
	_ =	sdelay $0x1  }
0x9d: {  	(erf) = vrcp.f32 v22;
	_ =	sdelay $0x5  }
0x9e: {  	v16 =	vadd.f32 $-1.000000000e+00, v16  }
0x9f: {  	v20 =	vpop (erf)  }
0xa0: {  	v16 =	vmul.f32 v20, v16;
	v20 =	vadd.f32 $-1.000000000e+00, v21  }
0xa1: {  	v21 =	vpop (erf)  }
0xa2: {  	v22 =	vmul.f32 v16, v16;
	v20 =	vmul.f32 v21, v20;
	_ =	sdelay $0x1  }
0xa3: {  	v21 =	vmul.f32 $1.428571490e-01, v22;
	v23 =	vmul.f32 v20, v20;
	_ =	sdelay $0x1  }
0xa4: {  	v21 =	vadd.f32 $2.000000030e-01, v21;
	v24 =	vmul.f32 $1.428571490e-01, v23;
	_ =	sdelay $0x1  }
0xa5: {  	v21 =	vmul.f32 v21, v22;
	v24 =	vadd.f32 $2.000000030e-01, v24;
	_ =	sdelay $0x1  }
0xa6: {  	v21 =	vadd.f32 $3.333333430e-01, v21;
	v24 =	vmul.f32 v24, v23;
	_ =	sdelay $0x1  }
0xa7: {  	v21 =	vmul.f32 v21, v22;
	v22 =	vadd.f32 $3.333333430e-01, v24;
	_ =	sdelay $0x1  }
0xa8: {  	v16 =	vadd.f32 v16, v16;
	v21 =	vadd.f32 $1.000000000e+00, v21;
	v22 =	vmul.f32 v22, v23  }
0xa9: {  	v14 =	vmul.f32 $6.931471820e-01, v14;
	v15 =	vcvt.s32.f32 v15  }
0xaa: {  	v20 =	vadd.f32 v20, v20;
	v16 =	vmul.f32 v21, v16;
	v21 =	vadd.f32 $1.000000000e+00, v22  }
0xab: {  	v9 =	vadd.f32 v13, v9;
	v13 =	vadd.f32 v18, v11;
	v22 =	vsel vm0, $0x3F800000, v2;
	v11 =	vld [tilespmem:s26+$0x0]  }
0xac: {  	s28 =	sadd.s32 $0x20, s28;
	v15 =	vmul.f32 $6.931471820e-01, v15;
	v14 =	vadd.f32 v16, v14;
	v16 =	vmul.f32 v21, v20  }
0xad: {  	s30 =	sadd.s32 $0xFFFFFFF0, s28;
	v10 =	vadd.f32 v19, v10;
	v8 =	vadd.f32 v22, v8  }
0xae: {  	v18 =	vmov s30;
	v15 =	vadd.f32 v16, v15;
	v14 =	vmax.f32 v14, $-1.000000000e+02  }
.Ltmp0:
0xaf: {  	v7 =	vadd.f32 v17, v7;
	v16 =	vshll.u32 v18, $0x7;
	v14 =	vsub.f32 $0.0e+00, v14;
	(pc) =	sbr.rel @p0 .LBB2_3-.Ltmp0, $4  }
0xb0: {  	v16 =	vor.u32 v1, v16;
	v15 =	vmax.f32 v15, $-1.000000000e+02;
	v17 =	vadd.s32 $0xFFFFFFFF, v11  }
0xb1: {  	vm0 =	veq.s32 v11, $0x1;
	vm3 =	veq.s32 v11, $0xFFFFFFFF;
	v18 =	vsub.f32 $0.0e+00, v15  }
0xb2: {  	vm1 =	veq.s32 v11, $0x0;
	vm2 =	vlt.u32 v17, $0x2;
	v11 =	vsel vm3, $0x3F800000, v2  }
0xb3: {  	v15 =	vnsel vm0, $0x0, v14;
	v14 =	vnsel vm1, $0x0, v18;
	v17 =	vnsel vm1, $0xBF800000, v18  }
0xb4: {  	_ =	sdelay $0x2  }
0xb5: {  	[tilespmem:s25+$0x0] =	vst v17  }
0xb6: {  	v16 =	vld.idx.msk [tilespmem:v16+s13+$0x0], $0xffff;
	_ =	sdelay $0x4  }
0xb7: {  	v17 =	vsub.f32 $1.000000000e+00, v16  }
0xb8: {  	v18 =	vand.u32 $0x7FFFFF, v16  }
0xb9: {  	v18 =	vor.u32 $0x3F800000, v18;
	v19 =	vand.u32 $0x7FFFFF, v17  }
0xba: {  	v20 =	vadd.f32 $1.000000000e+00, v18;
	v19 =	vor.u32 $0x3F800000, v19  }
0xbb: {  	v21 =	vadd.f32 $1.000000000e+00, v19  }
0xbc: {  	(erf) = vrcp.f32 v20  }
0xbd: {  	(erf) = vrcp.f32 v21;
	_ =	sdelay $0x7  }
0xbe: {  	v19 =	vadd.f32 $-1.000000000e+00, v19;
	v20 =	vpop (erf)  }
0xbf: {  	v21 =	vpop (erf)  }
0xc0: {  	v19 =	vmul.f32 v21, v19;
	_ =	sdelay $0x1  }
0xc1: {  	v21 =	vmul.f32 v19, v19;
	_ =	sdelay $0x1  }
0xc2: {  	v22 =	vmul.f32 $1.428571490e-01, v21;
	_ =	sdelay $0x1  }
0xc3: {  	v22 =	vadd.f32 $2.000000030e-01, v22;
	_ =	sdelay $0x1  }
0xc4: {  	v22 =	vmul.f32 v22, v21;
	_ =	sdelay $0x1  }
0xc5: {  	v22 =	vadd.f32 $3.333333430e-01, v22;
	_ =	sdelay $0x1  }
0xc6: {  	v17 =	vshra.s32 v17, $0x17;
	v21 =	vmul.f32 v22, v21  }
0xc7: {  	v17 =	vadd.s32 $0xFFFFFF81, v17  }
0xc8: {  	v17 =	vcvt.s32.f32 v17;
	v19 =	vadd.f32 v19, v19;
	v21 =	vadd.f32 $1.000000000e+00, v21;
	_ =	sdelay $0x1  }
0xc9: {  	s29 =	sadd.s32 $0x20, s26;
	v17 =	vmul.f32 $6.931471820e-01, v17;
	v19 =	vmul.f32 v21, v19  }
0xca: {  	v21 =	vld [tilespmem:s29+$0xFFFFFFF0]  }
0xcb: {  	v17 =	vadd.f32 v19, v17;
	v19 =	vmov s28  }
0xcc: {  	v19 =	vshll.u32 v19, $0x7  }
0xcd: {  	v17 =	vmax.f32 v17, $-1.000000000e+02;
	v19 =	vor.u32 v1, v19  }
0xce: {  	v17 =	vsub.f32 $0.0e+00, v17  }
0xcf: {  	vm3 =	veq.s32 v21, $0x0  }
0xd0: {  	s31 =	sadd.s32 $0x20, s25;
	v22 =	vnsel vm3, $0xBF800000, v17  }
0xd1: {  	[tilespmem:s31+$0xFFFFFFF0] =	vst v22  }
0xd2: {  	v19 =	vld.idx.msk [tilespmem:v19+s13+$0x0], $0xffff;
	_ =	sdelay $0x4  }
0xd3: {  	v22 =	vsub.f32 $1.000000000e+00, v19  }
0xd4: {  	v23 =	vand.u32 $0x7FFFFF, v19  }
0xd5: {  	v18 =	vadd.f32 $-1.000000000e+00, v18;
	v23 =	vor.u32 $0x3F800000, v23;
	v24 =	vand.u32 $0x7FFFFF, v22  }
0xd6: {  	v25 =	vadd.f32 $1.000000000e+00, v23;
	v24 =	vor.u32 $0x3F800000, v24  }
0xd7: {  	v18 =	vmul.f32 v20, v18;
	v20 =	vadd.f32 $1.000000000e+00, v24  }
0xd8: {  	(erf) = vrcp.f32 v25  }
0xd9: {  	v25 =	vmul.f32 v18, v18;
	(erf) = vrcp.f32 v20;
	_ =	sdelay $0x1  }
0xda: {  	v20 =	vmul.f32 $1.428571490e-01, v25;
	_ =	sdelay $0x1  }
0xdb: {  	v20 =	vadd.f32 $2.000000030e-01, v20;
	_ =	sdelay $0x1  }
0xdc: {  	v20 =	vmul.f32 v20, v25;
	_ =	sdelay $0x1  }
0xdd: {  	v24 =	vadd.f32 $-1.000000000e+00, v24;
	v20 =	vadd.f32 $3.333333430e-01, v20;
	v26 =	vpop (erf)  }
0xde: {  	v16 =	vshra.s32 v16, $0x17;
	v23 =	vadd.f32 $-1.000000000e+00, v23;
	v27 =	vpop (erf)  }
0xdf: {  	v16 =	vadd.s32 $0xFFFFFF81, v16;
	v20 =	vmul.f32 v20, v25;
	v24 =	vmul.f32 v27, v24  }
0xe0: {  	v9 =	vadd.f32 v15, v9;
	v15 =	vcvt.s32.f32 v16;
	v16 =	vmul.f32 v26, v23  }
0xe1: {  	v18 =	vadd.f32 v18, v18;
	v20 =	vadd.f32 $1.000000000e+00, v20;
	v23 =	vmul.f32 v24, v24  }
0xe2: {  	v7 =	vadd.f32 v14, v7;
	v14 =	vmul.f32 $6.931471820e-01, v15;
	v15 =	vmul.f32 v16, v16  }
0xe3: {  	v18 =	vmul.f32 v20, v18;
	v20 =	vmul.f32 $1.428571490e-01, v23  }
0xe4: {  	v11 =	vadd.f32 v11, v13;
	v13 =	vmul.f32 $1.428571490e-01, v15  }
0xe5: {  	v19 =	vshra.s32 v19, $0x17;
	v14 =	vadd.f32 v18, v14;
	v18 =	vadd.f32 $2.000000030e-01, v20  }
0xe6: {  	v19 =	vadd.s32 $0xFFFFFF81, v19;
	v13 =	vadd.f32 $2.000000030e-01, v13  }
0xe7: {  	v22 =	vshra.s32 v22, $0x17;
	v19 =	vcvt.s32.f32 v19;
	v18 =	vmul.f32 v18, v23  }
0xe8: {  	v22 =	vadd.s32 $0xFFFFFF81, v22;
	v13 =	vmul.f32 v13, v15  }
0xe9: {  	v19 =	vmul.f32 $6.931471820e-01, v19;
	v25 =	vsel vm2, $0x3F800000, v2;
	v18 =	vadd.f32 $3.333333430e-01, v18  }
0xea: {  	v8 =	vadd.f32 v25, v8;
	v25 =	vsel vm1, $0x3F800000, v2;
	v13 =	vadd.f32 $3.333333430e-01, v13  }
0xeb: {  	vm1 =	veq.s32 v21, $0x1;
	v10 =	vadd.f32 v25, v10;
	v18 =	vmul.f32 v18, v23  }
0xec: {  	v16 =	vadd.f32 v16, v16;
	v20 =	vsel vm0, $0x3F800000, v2;
	v13 =	vmul.f32 v13, v15  }
0xed: {  	v15 =	vcvt.s32.f32 v22;
	v22 =	vadd.f32 v24, v24;
	v18 =	vadd.f32 $1.000000000e+00, v18  }
0xee: {  	v14 =	vmax.f32 v14, $-1.000000000e+02;
	vm0 =	veq.s32 v21, $0xFFFFFFFF;
	v21 =	vadd.s32 $0xFFFFFFFF, v21  }
0xef: {  	v14 =	vsub.f32 $0.0e+00, v14;
	v15 =	vmul.f32 $6.931471820e-01, v15;
	v18 =	vmul.f32 v18, v22  }
0xf0: {  	v12 =	vadd.f32 v20, v12;
	v20 =	vsel vm0, $0x3F800000, v2;
	vm0 =	vlt.u32 v21, $0x2;
	v21 =	vld [tilespmem:s29+$0x0]  }
0xf1: {  	v14 =	vnsel vm1, $0x0, v14;
	v13 =	vadd.f32 $1.000000000e+00, v13;
	v15 =	vadd.f32 v18, v15  }
0xf2: {  	v25 =	vsel vm3, $0x3F800000, v2;
	v9 =	vadd.f32 v14, v9;
	v14 =	vsel vm0, $0x3F800000, v2  }
0xf3: {  	v13 =	vmul.f32 v13, v16;
	v16 =	vadd.f32 v25, v10;
	v10 =	vmax.f32 v15, $-1.000000000e+02  }
0xf4: {  	s25 =	simm.s32 $0x0;
	v8 =	vadd.f32 v14, v8;
	v10 =	vsub.f32 $0.0e+00, v10  }
0xf5: {  	s28 =	simm.s32 $0x10;
	vm0 =	veq.s32 v21, $0x0;
	v13 =	vadd.f32 v13, v19;
	v19 =	vor.u32 s25, v0  }
0xf6: {  	v15 =	vnsel vm3, $0x0, v17;
	v17 =	vor.u32 s28, v0;
	v14 =	vnsel vm0, $0xBF800000, v10  }
0xf7: {  	s24 =	sadd.s32 s9, s24;
	v18 =	vadd.s32 $0xFFFFFFFF, v21;
	v7 =	vadd.f32 v15, v7;
	v15 =	vshrl.u32 v17, $0x2;
	[tilespmem:s31+$0x0] =	vst v14  }
0xf8: {  	vm3 =	vlt.u32 v18, $0x2;
	v18 =	vshll.u32 v15, $0x7;
	v14 =	vshrl.u32 v19, $0x2;
	[hbm4b:s24+s2] =	stream.linear.scatter [tilespmem:s19], [sflag:$0x2], $0x80, $0x38;
	[tilespmem:$0x14180] =	vst v63  }
0xf9: {  	v11 =	vadd.f32 v20, v11;
	v23 =	vsel vm1, $0x3F800000, v2;
	v24 =	vor.u32 v3, v18;
	_ =	swait.ge [sflag:s20], $0x80  }
0xfa: {  	vm1 =	veq.s32 v21, $0x1;
	v13 =	vmax.f32 v13, $-1.000000000e+02;
	v20 =	vshll.u32 v14, $0x7;
	[sflag:s20] =	ssyncset.done $0x0  }
0xfb: {  	s26 =	simm.s32 $0x20;
	s29 =	simm.s32 $0x30;
	vm2 =	veq.s32 v21, $0xFFFFFFFF;
	v13 =	vsub.f32 $0.0e+00, v13;
	v21 =	vor.u32 v3, v20;
	[sflag:s20] =	ssyncadd.s32 $0xFFFFFF80  }
0xfc: {  	v12 =	vadd.f32 v23, v12;
	v18 =	vor.u32 s29, v0;
	v20 =	vor.u32 s26, v0;
	v25 =	vld.idx.msk [tilespmem:v15+s2+$0x0], $0xffff  }
0xfd: {  	v13 =	vnsel vm1, $0x0, v13;
	v28 =	vshrl.u32 v18, $0x2;
	v23 =	vshrl.u32 v20, $0x2;
	v27 =	vld.idx.msk [tilespmem:v14+s2+$0x0], $0xffff  }
0xfe: {  	v9 =	vadd.f32 v13, v9;
	v10 =	vnsel vm0, $0x0, v10;
	v13 =	vshll.u32 v23, $0x7;
	v31 =	vld.idx.msk [tilespmem:v24+s14+$0x0], $0xffff  }
0xff: {  	v7 =	vadd.f32 v10, v7;
	v10 =	vsel vm3, $0x3F800000, v2;
	v26 =	vor.u32 v3, v13;
	v24 =	vld.idx.msk [tilespmem:v24+s15+$0x0], $0xffff  }
0x100: {  	v22 =	vsel vm2, $0x3F800000, v2;
	v8 =	vadd.f32 v10, v8;
	v14 =	vshll.u32 v28, $0x7;
	v29 =	vld.idx.msk [tilespmem:v21+s14+$0x0], $0xffff  }
0x101: {  	v10 =	vadd.f32 v22, v11;
	s24 =	simm.s32 $0x40;
	v13 =	vsel vm0, $0x3F800000, v2;
	v30 =	vor.u32 v3, v14;
	v22 =	vld.idx.msk [tilespmem:v21+s15+$0x0], $0xffff  }
0x102: {  	s28 =	simm.s32 $0x50;
	v15 =	vsel vm1, $0x3F800000, v2;
	v28 =	vld.idx.msk [tilespmem:v28+s2+$0x0], $0xffff;
	v11 =	vadd.f32 v13, v16;
	v14 =	vor.u32 s24, v0  }
0x103: {  	s31 =	simm.s32 $0x60;
	v12 =	vadd.f32 v15, v12;
	v15 =	vor.u32 s28, v0;
	v35 =	vshrl.u32 v14, $0x2;
	v37 =	vld.idx.msk [tilespmem:v23+s2+$0x0], $0xffff  }
0x104: {  	v16 =	vor.u32 s31, v0;
	v38 =	vshrl.u32 v15, $0x2;
	v23 =	vshll.u32 v35, $0x7;
	v32 =	vld.idx.msk [tilespmem:v26+s14+$0x0], $0xffff  }
0x105: {  	s30 =	simm.s32 $0x70;
	v36 =	vshrl.u32 v16, $0x2;
	v40 =	vor.u32 v3, v23;
	v23 =	vshll.u32 v38, $0x7;
	v34 =	vld.idx.msk [tilespmem:v26+s15+$0x0], $0xffff  }
0x106: {  	v13 =	vor.u32 s30, v0;
	v26 =	vor.u32 v3, v23;
	v22 =	vsub.f32 v29, v22;
	v29 =	vld.idx.msk [tilespmem:v30+s14+$0x0], $0xffff  }
0x107: {  	v21 =	vshrl.u32 v13, $0x2;
	v39 =	vshll.u32 v36, $0x7;
	v27 =	vadd.s32 $0xFFFFFFFF, v27;
	v30 =	vld.idx.msk [tilespmem:v30+s15+$0x0], $0xffff  }
0x108: {  	v31 =	vsub.f32 v31, v24;
	v25 =	vadd.s32 $0xFFFFFFFF, v25;
	v22 =	vmul.f32 v22, v22  }
0x109: {  	v23 =	vor.u32 v3, v39;
	v63 =	vadd.s32 $0xFFFFFFFF, v28;
	vm0 =	vlt.u32 v27, $0x2  }
0x10a: {  	v24 =	vld.idx.msk [tilespmem:v36+s2+$0x0], $0xffff;
	v31 =	vmul.f32 v31, v31;
	v32 =	vsub.f32 v32, v34;
	v27 =	vnsel vm0, $0x0, v22  }
0x10b: {  	v28 =	vld.idx.msk [tilespmem:v26+s14+$0x0], $0xffff;
	vm0 =	vlt.u32 v25, $0x2;
	v25 =	vadd.s32 $0xFFFFFFFF, v37;
	v62 =	vadd.f32 v27, v6  }
0x10c: {  	v22 =	vld.idx.msk [tilespmem:v38+s2+$0x0], $0xffff;
	v31 =	vnsel vm0, $0x0, v31;
	v32 =	vmul.f32 v32, v32;
	v30 =	vsub.f32 v29, v30  }
0x10d: {  	v33 =	vshll.u32 v21, $0x7;
	v6 =	vld.idx.msk [tilespmem:v35+s2+$0x0], $0xffff;
	vm0 =	vlt.u32 v25, $0x2;
	v34 =	vadd.f32 v31, v62  }
0x10e: {  	v27 =	vld.idx.msk [tilespmem:v40+s14+$0x0], $0xffff;
	v25 =	vor.u32 v3, v33;
	v32 =	vnsel vm0, $0x0, v32;
	v31 =	vmul.f32 v30, v30  }
0x10f: {  	s26 =	simm.s32 $0x4;
	s28 =	simm.s32 $0xB0;
	v29 =	vld.idx.msk [tilespmem:v40+s15+$0x0], $0xffff;
	vm0 =	vlt.u32 v63, $0x2;
	v30 =	vadd.f32 v32, v34  }
.LBB2_5:
0x110: {  	s29 =	sadd.s32 $0xFFFFFFF0, s28;
	v32 =	vor.u32 s28, v0;
	v26 =	vld.idx.msk [tilespmem:v26+s15+$0x0], $0xffff;
	v31 =	vnsel vm0, $0x0, v31;
	v33 =	vmov v24  }
0x111: {  	s30 =	sadd.s32 $0xFFFFFFD0, s28;
	s31 =	sadd.s32 $0xFFFFFFE0, s28;
	v24 =	vor.u32 s29, v0;
	v32 =	vshrl.u32 v32, $0x2;
	v34 =	vld.idx.msk [tilespmem:v23+s14+$0x0], $0xffff;
	v30 =	vadd.f32 v31, v30  }
0x112: {  	v31 =	vor.u32 s30, v0;
	v35 =	vor.u32 s31, v0;
	v36 =	vshll.u32 v32, $0x7;
	v37 =	vld.idx.msk [tilespmem:v23+s15+$0x0], $0xffff  }
0x113: {  	s26 =	sadd.s32 $0x4, s26;
	v31 =	vshrl.u32 v31, $0x2;
	v35 =	vshrl.u32 v35, $0x2;
	v24 =	vshrl.u32 v24, $0x2;
	v38 =	vld.idx.msk [tilespmem:v25+s14+$0x0], $0xffff  }
0x114: {  	p0 =	slt.u32 s26, $0x1C;
	v23 =	vshll.u32 v31, $0x7;
	v39 =	vshll.u32 v24, $0x7;
	v27 =	vsub.f32 v27, v29;
	v25 =	vld.idx.msk [tilespmem:v25+s15+$0x0], $0xffff  }
0x115: {  	v40 =	vshll.u32 v35, $0x7;
	v29 =	vor.u32 v3, v23;
	v23 =	vor.u32 v3, v39  }
0x116: {  	v6 =	vadd.s32 $0xFFFFFFFF, v6;
	v27 =	vmul.f32 v27, v27;
	v28 =	vsub.f32 v28, v26;
	v39 =	vld.idx.msk [tilespmem:v21+s2+$0x0], $0xffff;
	v21 =	vmovc v32  }
0x117: {  	vm0 =	vlt.u32 v6, $0x2;
	v6 =	vadd.s32 $0xFFFFFFFF, v22;
	v26 =	vor.u32 v3, v40  }
0x118: {  	v27 =	vnsel vm0, $0x0, v27;
	v28 =	vmul.f32 v28, v28;
	v32 =	vsub.f32 v34, v37;
	v24 =	vld.idx.msk [tilespmem:v24+s2+$0x0], $0xffff  }
.Ltmp1:
0x119: {  	v33 =	vadd.s32 $0xFFFFFFFF, v33;
	vm0 =	vlt.u32 v6, $0x2;
	v30 =	vadd.f32 v27, v30;
	v22 =	vld.idx.msk [tilespmem:v35+s2+$0x0], $0xffff;
	(pc) =	sbr.rel @p0 .LBB2_5-.Ltmp1, $4  }
0x11a: {  	v28 =	vnsel vm0, $0x0, v28;
	v6 =	vld.idx.msk [tilespmem:v31+s2+$0x0], $0xffff;
	v31 =	vmul.f32 v32, v32;
	v32 =	vsub.f32 v38, v25  }
0x11b: {  	vm0 =	vlt.u32 v33, $0x2;
	v25 =	vor.u32 v3, v36;
	v30 =	vadd.f32 v28, v30;
	v27 =	vld.idx.msk [tilespmem:v29+s14+$0x0], $0xffff  }
0x11c: {  	v34 =	vadd.s32 $0xFFFFFFFF, v39;
	v29 =	vld.idx.msk [tilespmem:v29+s15+$0x0], $0xffff;
	v33 =	vnsel vm0, $0x0, v31;
	v31 =	vmul.f32 v32, v32  }
0x11d: {  	s28 =	sadd.s32 $0x40, s28;
	vm0 =	vlt.u32 v34, $0x2;
	v28 =	vld.idx.msk [tilespmem:v26+s14+$0x0], $0xffff;
	v30 =	vadd.f32 v33, v30  }
0x11e: {  	_ =	sdelay $0x3  }
0x11f: {  	v26 =	vld.idx.msk [tilespmem:v26+s15+$0x0], $0xffff  }
0x120: {  	v32 =	vld.idx.msk [tilespmem:v23+s14+$0x0], $0xffff  }
0x121: {  	v23 =	vld.idx.msk [tilespmem:v23+s15+$0x0], $0xffff;
	v6 =	vadd.s32 $0xFFFFFFFF, v6  }
0x122: {  	v22 =	vadd.s32 $0xFFFFFFFF, v22;
	vm11 =	vlt.u32 v6, $0x2;
	v6 =	vmulhi.u32 $0xCCCCCCCD, v19  }
0x123: {  	vm12 =	vlt.u32 v22, $0x2;
	v27 =	vsub.f32 v27, v29;
	v29 =	vnsel vm0, $0x0, v31  }
0x124: {  	v6 =	vshrl.u32 v6, $0x3;
	v26 =	vsub.f32 v28, v26;
	v28 =	vadd.f32 v29, v30;
	v29 =	vld.idx.msk [tilespmem:v25+s14+$0x0], $0xffff  }
0x125: {  	v22 =	vadd.s32 $0xFFFFFFFF, v24;
	v27 =	vmul.f32 v27, v27;
	v25 =	vld.idx.msk [tilespmem:v25+s15+$0x0], $0xffff;
	v24 =	vmul.u32 $0xFFFFFFF6, v6  }
0x126: {  	vm14 =	vlt.u32 v22, $0x2;
	v31 =	vmulhi.u32 $0xCCCCCCCD, v17;
	v23 =	vsub.f32 v32, v23  }
0x127: {  	v30 =	vmov s25;
	v27 =	vnsel vm11, $0x0, v27;
	v24 =	vadd.s32 v19, v24  }
0x128: {  	v27 =	vadd.f32 v27, v28;
	v28 =	vmul.f32 v23, v23;
	v23 =	vmulhi.u32 $0xCCCCCCCD, v20  }
0x129: {  	vm13 =	veq.s32 v30, v0;
	v26 =	vmul.f32 v26, v26;
	vm1 =	vne.s32 v24, $0x0  }
0x12a: {  	vm0 =	vmand vm13, vm1;
	v19 =	vshrl.u32 v23, $0x3;
	v25 =	vsub.f32 v29, v25  }
0x12b: {  	v21 =	vld.idx.msk [tilespmem:v21+s2+$0x0], $0xffff;
	v29 =	vshrl.u32 v31, $0x3;
	v22 =	vsel vm0, $0xFFFFFFFF, v4;
	v23 =	vmul.u32 $0xFFFFFFF6, v19  }
0x12c: {  	v26 =	vnsel vm12, $0x0, v26;
	v22 =	vadd.s32 v22, v6;
	v6 =	vmul.u32 $0xFFFFFFF6, v29  }
0x12d: {  	v30 =	vshll.u32 v19, $0x7;
	v31 =	vshll.u32 v22, $0x7;
	v20 =	vadd.s32 v20, v23  }
0x12e: {  	v6 =	vadd.s32 v17, v6;
	v23 =	vor.u32 v20, v30;
	v20 =	vadd.f32 v26, v27  }
0x12f: {  	v27 =	vnsel vm14, $0x0, v28;
	v28 =	vor.u32 v24, v31;
	v24 =	vmulhi.u32 $0xCCCCCCCD, v18  }
0x130: {  	v17 =	vadd.s32 $0xFFFFFFFF, v21;
	v21 =	vmul.f32 v25, v25;
	v26 =	vshll.u32 v29, $0x7  }
0x131: {  	v26 =	vor.u32 v6, v26;
	v6 =	vadd.f32 v27, v20;
	v20 =	vshrl.u32 v24, $0x3  }
0x132: {  	vm15 =	vlt.u32 v17, $0x2;
	v17 =	vld.idx.msk [tilespmem:v29+s2+$0x0], $0xffff;
	v25 =	vmul.u32 $0xFFFFFFF6, v20  }
0x133: {  	v24 =	vnsel vm15, $0x0, v21;
	v27 =	vmulhi.u32 $0xCCCCCCCD, v14;
	v21 =	vld.idx.msk [tilespmem:v23+s16+$0x0], $0xffff  }
0x134: {  	v30 =	vshll.u32 v20, $0x7;
	v6 =	vadd.f32 v24, v6;
	v24 =	vld.idx.msk [tilespmem:v28+s16+$0x0], $0xffff;
	v18 =	vadd.s32 v18, v25  }
0x135: {  	v29 =	vmulhi.u32 $0xCCCCCCCD, v13;
	v25 =	vld.idx.msk [tilespmem:v28+s17+$0x0], $0xffff;
	v28 =	vor.u32 v18, v30  }
0x136: {  	s26 =	simm.s32 $0xB0;
	s25 =	simm.s32 $0x4;
	v27 =	vshrl.u32 v27, $0x3;
	v30 =	vmulhi.u32 $0xCCCCCCCD, v16;
	v18 =	vld.idx.msk [tilespmem:v26+s16+$0x0], $0xffff  }
.LBB2_7:
0x137: {  	v31 =	vmov s24;
	s24 =	sadd.s32 $0xFFFFFFD0, s26;
	v32 =	vmul.u32 $0xFFFFFFF6, v27;
	v33 =	vmulhi.u32 $0xCCCCCCCD, v15;
	v26 =	vld.idx.msk [tilespmem:v26+s17+$0x0], $0xffff  }
0x138: {  	v29 =	vshrl.u32 v29, $0x3;
	v34 =	vor.u32 s24, v0;
	vm0 =	veq.s32 v31, v0;
	v31 =	vld.idx.msk [tilespmem:v22+s2+$0x0], $0xffff  }
0x139: {  	v22 =	vshrl.u32 v30, $0x3;
	v32 =	vadd.s32 v14, v32;
	v33 =	vshrl.u32 v33, $0x3;
	v30 =	vld.idx.msk [tilespmem:v23+s17+$0x0], $0xffff;
	v14 =	vmovc v34  }
0x13a: {  	v23 =	vmul.u32 $0xFFFFFFF6, v22;
	v34 =	vshll.u32 v22, $0x7;
	vm1 =	vne.s32 v32, $0x0;
	v35 =	vld.idx.msk [tilespmem:v28+s16+$0x0], $0xffff  }
0x13b: {  	v36 =	vshll.u32 v33, $0x7;
	v24 =	vsub.f32 v24, v25;
	vm0 =	vmand vm0, vm1;
	v25 =	vld.idx.msk [tilespmem:v28+s17+$0x0], $0xffff  }
0x13c: {  	v37 =	vmul.u32 $0xFFFFFFF6, v33;
	v16 =	vadd.s32 v16, v23;
	v28 =	vsel vm0, $0xFFFFFFFF, v4;
	v38 =	vld.idx.msk [tilespmem:v19+s2+$0x0], $0xffff;
	v19 =	vmovc v22  }
0x13d: {  	v24 =	vmul.f32 v24, v24;
	v18 =	vsub.f32 v18, v26;
	v22 =	vadd.s32 v28, v27  }
0x13e: {  	v23 =	vor.u32 v16, v34;
	vm0 =	veq.s32 v31, $0xFFFFFFFF;
	v26 =	vshll.u32 v22, $0x7;
	v16 =	vld.idx.msk [tilespmem:v20+s2+$0x0], $0xffff;
	v20 =	vmovc v29  }
0x13f: {  	v24 =	vnsel vm0, $0x0, v24;
	v18 =	vmul.f32 v18, v18;
	v21 =	vsub.f32 v21, v30  }
0x140: {  	vm0 =	veq.s32 v17, $0xFFFFFFFF;
	v27 =	vor.u32 v32, v26;
	v5 =	vadd.f32 v24, v5  }
0x141: {  	v17 =	vnsel vm0, $0x0, v18;
	v18 =	vmul.f32 v21, v21;
	v21 =	vsub.f32 v35, v25  }
0x142: {  	s25 =	sadd.s32 $0x4, s25;
	v15 =	vadd.s32 v15, v37;
	v5 =	vadd.f32 v17, v5;
	vm0 =	veq.s32 v38, $0xFFFFFFFF  }
0x143: {  	p0 =	slt.u32 s25, $0x4C;
	v26 =	vor.u32 v15, v36;
	v15 =	vnsel vm0, $0x0, v18;
	v18 =	vmul.f32 v21, v21  }
.Ltmp2:
0x144: {  	v25 =	vmul.u32 $0xFFFFFFF6, v20;
	v5 =	vadd.f32 v15, v5;
	vm0 =	veq.s32 v16, $0xFFFFFFFF;
	v17 =	vld.idx.msk [tilespmem:v33+s2+$0x0], $0xffff;
	(pc) =	sbr.rel @p0 .LBB2_7-.Ltmp2, $4  }
0x145: {  	v15 =	vmulhi.u32 $0xCCCCCCCD, v14;
	v16 =	vor.u32 s26, v0;
	v18 =	vnsel vm0, $0x0, v18;
	v21 =	vld.idx.msk [tilespmem:v23+s16+$0x0], $0xffff  }
0x146: {  	s28 =	sadd.s32 $0xFFFFFFF0, s26;
	v30 =	vshll.u32 v20, $0x7;
	v28 =	vadd.s32 v13, v25;
	v13 =	vmovc v16;
	v5 =	vadd.f32 v18, v5;
	v24 =	vld.idx.msk [tilespmem:v27+s16+$0x0], $0xffff  }
0x147: {  	s29 =	sadd.s32 $0xFFFFFFE0, s26;
	v28 =	vor.u32 v28, v30;
	v16 =	vor.u32 s28, v0;
	v29 =	vmulhi.u32 $0xCCCCCCCD, v13;
	v25 =	vld.idx.msk [tilespmem:v27+s17+$0x0], $0xffff  }
0x148: {  	s26 =	sadd.s32 $0x40, s26;
	v30 =	vmulhi.u32 $0xCCCCCCCD, v16;
	v27 =	vshrl.u32 v15, $0x3;
	v15 =	vor.u32 s29, v0;
	v18 =	vld.idx.msk [tilespmem:v26+s16+$0x0], $0xffff  }
0x149: {  	v31 =	vmul.u32 $0xFFFFFFF6, v27;
	_ =	sdelay $0x1  }
0x14a: {  	v32 =	vmov s24;
	v33 =	vmulhi.u32 $0xCCCCCCCD, v15;
	v14 =	vadd.s32 v14, v31  }
0x14b: {  	vm0 =	veq.s32 v32, v0;
	v30 =	vshrl.u32 v30, $0x3;
	vm1 =	vne.s32 v14, $0x0  }
0x14c: {  	v26 =	vld.idx.msk [tilespmem:v26+s17+$0x0], $0xffff;
	v41 =	vmul.u32 $0xFFFFFFF6, v30;
	vm0 =	vmand vm0, vm1  }
0x14d: {  	v22 =	vld.idx.msk [tilespmem:v22+s2+$0x0], $0xffff;
	v42 =	vshrl.u32 v33, $0x3;
	v43 =	vsel vm0, $0xFFFFFFFF, v4  }
0x14e: {  	v23 =	vld.idx.msk [tilespmem:v23+s17+$0x0], $0xffff;
	v34 =	vshll.u32 v30, $0x7;
	v16 =	vadd.s32 v16, v41;
	v44 =	vadd.s32 v43, v27  }
0x14f: {  	v45 =	vld.idx.msk [tilespmem:v28+s16+$0x0], $0xffff;
	v46 =	vmul.u32 $0xFFFFFFF6, v42;
	v16 =	vor.u32 v16, v34;
	v35 =	vshll.u32 v44, $0x7  }
0x150: {  	v47 =	vld.idx.msk [tilespmem:v28+s17+$0x0], $0xffff;
	v14 =	vor.u32 v14, v35  }
0x151: {  	v19 =	vld.idx.msk [tilespmem:v19+s2+$0x0], $0xffff;
	v48 =	vshll.u32 v42, $0x7;
	v15 =	vadd.s32 v15, v46  }
0x152: {  	v29 =	vshrl.u32 v29, $0x3;
	v20 =	vld.idx.msk [tilespmem:v20+s2+$0x0], $0xffff;
	v15 =	vor.u32 v15, v48  }
0x153: {  	v50 =	vmul.u32 $0xFFFFFFF6, v29;
	v24 =	vsub.f32 v24, v25;
	v49 =	vld.idx.msk [tilespmem:v42+s2+$0x0], $0xffff  }
0x154: {  	v53 =	vshll.u32 v29, $0x7;
	v51 =	vld.idx.msk [tilespmem:v16+s16+$0x0], $0xffff  }
0x155: {  	v13 =	vadd.s32 v13, v50;
	v24 =	vmul.f32 v24, v24;
	v18 =	vsub.f32 v18, v26;
	v52 =	vld.idx.msk [tilespmem:v14+s16+$0x0], $0xffff  }
0x156: {  	v13 =	vor.u32 v13, v53;
	vm8 =	veq.s32 v22, $0xFFFFFFFF;
	v14 =	vld.idx.msk [tilespmem:v14+s17+$0x0], $0xffff  }
0x157: {  	v21 =	vsub.f32 v21, v23;
	v22 =	vnsel vm8, $0x0, v24;
	v18 =	vmul.f32 v18, v18;
	v54 =	vld.idx.msk [tilespmem:v15+s16+$0x0], $0xffff  }
0x158: {  	vm9 =	veq.s32 v17, $0xFFFFFFFF;
	v5 =	vadd.f32 v22, v5;
	v15 =	vld.idx.msk [tilespmem:v15+s17+$0x0], $0xffff  }
0x159: {  	v56 =	vsub.f32 v45, v47;
	v55 =	vmul.f32 v21, v21;
	v17 =	vnsel vm9, $0x0, v18;
	v57 =	vld.idx.msk [tilespmem:v44+s2+$0x0], $0xffff  }
0x15a: {  	vm10 =	veq.s32 v19, $0xFFFFFFFF;
	v5 =	vadd.f32 v17, v5;
	v16 =	vld.idx.msk [tilespmem:v16+s17+$0x0], $0xffff  }
0x15b: {  	v59 =	vmul.f32 v56, v56;
	v58 =	vnsel vm10, $0x0, v55;
	v60 =	vld.idx.msk [tilespmem:v13+s16+$0x0], $0xffff;
	v14 =	vsub.f32 v52, v14  }
0x15c: {  	vm11 =	veq.s32 v20, $0xFFFFFFFF;
	v13 =	vld.idx.msk [tilespmem:v13+s17+$0x0], $0xffff;
	v5 =	vadd.f32 v58, v5  }
0x15d: {  	v62 =	vld.idx.msk [tilespmem:v30+s2+$0x0], $0xffff;
	v61 =	vnsel vm11, $0x0, v59;
	v15 =	vsub.f32 v54, v15;
	v14 =	vmul.f32 v14, v14  }
0x15e: {  	v5 =	vadd.f32 v61, v5;
	vm12 =	veq.s32 v57, $0xFFFFFFFF  }
0x15f: {  	v63 =	vld.idx.msk [tilespmem:v29+s2+$0x0], $0xffff;
	v16 =	vsub.f32 v51, v16;
	v15 =	vmul.f32 v15, v15;
	v14 =	vnsel vm12, $0x0, v14  }
0x160: {  	s23 =	sadd.s32 $0x1, s23;
	vm13 =	veq.s32 v49, $0xFFFFFFFF;
	v5 =	vadd.f32 v14, v5  }
0x161: {  	p0 =	sne.s32 s23, $0x40;
	v13 =	vsub.f32 v60, v13;
	v14 =	vnsel vm13, $0x0, v15;
	v15 =	vmul.f32 v16, v16  }
.Ltmp3:
0x162: {  	vm14 =	veq.s32 v62, $0xFFFFFFFF;
	v5 =	vadd.f32 v14, v5;
	(pc) =	sbr.rel @p0 .LBB2_2-.Ltmp3, $4  }
0x163: {  	v13 =	vmul.f32 v13, v13;
	v14 =	vnsel vm14, $0x0, v15  }
0x164: {  	vm15 =	veq.s32 v63, $0xFFFFFFFF;
	v5 =	vadd.f32 v14, v5  }
0x165: {  	v13 =	vnsel vm15, $0x0, v13  }
0x166: {  	v5 =	vadd.f32 v13, v5  }
0x167: {  	[tilespmem:$0x14100] =	vst v12  }
0x168: {  	[tilespmem:$0x14110] =	vst v11  }
0x169: {  	[tilespmem:$0x14120] =	vst v9  }
0x16a: {  	[tilespmem:$0x14130] =	vst v7  }
0x16b: {  	[tilespmem:$0x14140] =	vst v8  }
0x16c: {  	[tilespmem:$0x14150] =	vst v6;
	s22 =	sadd.s32 $0x1, s22  }
0x16d: {  	[tilespmem:$0x14160] =	vst v10;
	p0 =	sne.s32 s22, s12  }
.Ltmp4:
0x16e: {  	[tilespmem:$0x14170] =	vst v5;
	(pc) =	sbr.rel @p0 .LBB2_1-.Ltmp4, $4  }
0x16f: {  	[hbm4b:s11+s2] =	stream.linear.scatter [tilespmem:s21], [sflag:$0x2], $0x80, $0x38;
	[tilespmem:$0x14180] =	vst v63  }
0x170: {  	_ =	swait.ge [sflag:s20], $0x80  }
0x171: {  	[sflag:s20] =	ssyncset.done $0x0  }
0x172: {  	[sflag:s20] =	ssyncadd.s32 $0xFFFFFF80  }
0x173: {  	_ =	sfence.sel $0x180000  }
0x174: {  	[bflag:$0x0] =	sbarrier.arrive $0xFFFF  }
0x175: {  	p0 =	sne.s32 s3, $0x0;
	_ =	strace $0x90000047  }
0x176: {  	s0 =	sadd.s32 @!p0 $0x100000, s0;
	[bflag:$0x2] =	sbarrier.arrive $0xFFFF  }
0x177: {  	[sflag:s0] =	ssyncadd.tile.s32 @!p0 $0x1;
	_ =	shalt  }
.Lfunc_end2:
_tile_overlayer_lowered:
.L_overlay_start_2:
0x178: {  	(tag) =	ssettag $0x2  }
0x179: {  	s0 =	rddreg [dreg:$0x0];
	s2 =	stileid.u32  }
0x17a: {  	s1 =	rddreg [dreg:$0x1];
	p0 =	sne.s32 s2, $0x0  }
0x17b: {  	s3 =	rddreg [dreg:$0x2];
	[bflag:$0x3] =	sbarrier.arrive $0xFFFF;
	s2 =	simm.s32 @!p0 $0x1C02  }
0x17c: {  	[timem:s3], [sflag:s2] =	dma.local @!p0 [hbm:s0], s1  }
0x17d: {  	s0 =	simm.s32 @!p0 $0x2  }
0x17e: {  	_ =	swait.ge @!p0 [sflag:s0], s1  }
0x17f: {  	s1 =	ssub.s32 @!p0 $0x0, s1;
	[sflag:s0] =	ssyncset.done @!p0 $0x0  }
0x180: {  	[sflag:s0] =	ssyncadd.s32 @!p0 s1  }
0x181: {  	[bflag:$0x3] =	sbarrier.arrive $0xFFFF  }
0x182: {  	_ =	shalt  }

</sc_bundles>
